<compile_context>
chip_gen: v7x
topology: tpu7x:2x2x1
jax: 0.10.2.dev20260603
libtpu: 0.0.44.dev20260713+nightly
codegen_flags: <defaults>
</compile_context>

<pallas_src>
import functools

import jax
import jax.numpy as jnp
from jax import lax
from jax.experimental import pallas as pl
from jax.experimental.pallas import tpu as pltpu
from jax.experimental.pallas import tpu_sc as plsc

VOCAB = 100000
EM = 128
U = 256
OUT = 64
B = 1024
T = 200
EPS = 1e-3
N = B * T

_NC = 2
_NS = 16
_NW = _NC * _NS
_CHUNK = 128
_ROWS_PER_W = N // _NW
_CHUNKS_PER_W = _ROWS_PER_W // _CHUNK
_NBUF = 5


def _sc_gather(table, idx):
    mesh = plsc.VectorSubcoreMesh(core_axis_name="c", subcore_axis_name="s")

    @functools.partial(
        pl.kernel,
        mesh=mesh,
        out_type=jax.ShapeDtypeStruct((N, EM), jnp.float32),
        scratch_types=(
            [pltpu.VMEM((_CHUNK,), jnp.int32) for _ in range(_NBUF)]
            + [pltpu.VMEM((_CHUNK, EM), jnp.float32) for _ in range(_NBUF)]
            + [pltpu.SemaphoreType.DMA for _ in range(2 * _NBUF)]
        ),
    )
    def k(table_hbm, idx_hbm, x_hbm, *bufs):
        idx_v = bufs[0:_NBUF]
        rows_v = bufs[_NBUF:2 * _NBUF]
        sg = bufs[2 * _NBUF:3 * _NBUF]
        sw = bufs[3 * _NBUF:4 * _NBUF]
        wid = lax.axis_index("s") * _NC + lax.axis_index("c")
        w_base = wid * _ROWS_PER_W

        def body(jo, carry):
            handles = []
            for b in range(_NBUF):
                base = w_base + (_NBUF * jo + b) * _CHUNK

                @pl.when(jo > 0)
                def _():
                    pltpu.make_async_copy(
                        rows_v[b], x_hbm.at[pl.ds(0, _CHUNK)], sw[b]).wait()

                pltpu.sync_copy(idx_hbm.at[pl.ds(base, _CHUNK)], idx_v[b])
                handles.append(
                    pltpu.async_copy(table_hbm.at[idx_v[b]], rows_v[b], sg[b]))
            for b in range(_NBUF):
                base = w_base + (_NBUF * jo + b) * _CHUNK
                handles[b].wait()
                pltpu.async_copy(rows_v[b], x_hbm.at[pl.ds(base, _CHUNK)],
                                 sw[b])
            return carry

        lax.fori_loop(0, _CHUNKS_PER_W // _NBUF, body, 0)
        for b in range(_NBUF):
            pltpu.make_async_copy(
                rows_v[b], x_hbm.at[pl.ds(0, _CHUNK)], sw[b]).wait()

    return k(table, idx)


_SROWS = 8192


def _stats_body(x_ref, o_ref, xb_ref):
    i = pl.program_id(0)

    @pl.when(i == 0)
    def _():
        o_ref[...] = jnp.zeros_like(o_ref)

    xb = x_ref[...]
    s = jnp.sum(xb, axis=0, keepdims=True)
    s2 = jnp.sum(xb * xb, axis=0, keepdims=True)
    o_ref[...] += jnp.concatenate([s, s2], axis=0)
    xb_ref[...] = xb.astype(jnp.bfloat16)


def _stats(x2d):
    return pl.pallas_call(
        _stats_body,
        grid=(N // _SROWS,),
        in_specs=[pl.BlockSpec((_SROWS, EM), lambda i: (i, 0))],
        out_specs=[pl.BlockSpec((2, EM), lambda i: (0, 0)),
                   pl.BlockSpec((_SROWS, EM), lambda i: (i, 0))],
        out_shape=[jax.ShapeDtypeStruct((2, EM), jnp.float32),
                   jax.ShapeDtypeStruct((N, EM), jnp.bfloat16)],
    )(x2d)


XH = EM + U
_XPAD = 128
XK = XH + _XPAD
_S = 4


def _rec_body(xf_ref, xb_ref, mf_ref, mb_ref,
              krf_ref, krb_ref,
              g2_ref, be2_ref, wd_ref, bd_ref,
              out_ref,
              xhf, cf, xhb, cb):
    t = pl.program_id(0)

    @pl.when(t == 0)
    def _():
        xhf[...] = jnp.zeros_like(xhf)
        xhb[...] = jnp.zeros_like(xhb)
        cf[...] = jnp.zeros_like(cf)
        cb[...] = jnp.zeros_like(cb)
        col = lax.broadcasted_iota(jnp.int32, (B, _XPAD), 1)
        ones_col = jnp.where(col == 0, 1.0, 0.0).astype(jnp.bfloat16)
        xhf[:, XH:XH + _XPAD] = ones_col
        xhb[:, XH:XH + _XPAD] = ones_col

    def step(x_blk, m, xh, c_ref, kr_ref):
        xh[:, 0:EM] = x_blk
        z = jnp.dot(xh[...], kr_ref[...], preferred_element_type=jnp.float32)
        c = c_ref[...]
        gi = jnp.tanh(z[:, 0 * U:1 * U]) * 0.5 + 0.5
        gf = jnp.tanh(z[:, 1 * U:2 * U]) * 0.5 + 0.5
        gg = jnp.tanh(z[:, 2 * U:3 * U])
        go = jnp.tanh(z[:, 3 * U:4 * U]) * 0.5 + 0.5
        c_new = gf * c + gi * gg
        h_new = go * jnp.tanh(c_new)
        keep = m != 0.0
        xh[:, EM:XH] = jnp.where(keep, h_new.astype(jnp.bfloat16),
                                 xh[:, EM:XH])
        c_ref[...] = jnp.where(keep, c_new, c)

    for s in range(_S):
        step(xf_ref[s], mf_ref[s], xhf, cf, krf_ref)
        step(xb_ref[_S - 1 - s], mb_ref[_S - 1 - s], xhb, cb, krb_ref)

    @pl.when(t == T // _S - 1)
    def _():
        hcat = jnp.concatenate(
            [xhf[:, EM:XH].astype(jnp.float32),
             xhb[:, EM:XH].astype(jnp.float32)], axis=1)
        mean2 = jnp.mean(hcat, axis=0, keepdims=True)
        var2 = jnp.mean(hcat * hcat, axis=0, keepdims=True) - mean2 * mean2
        hn = g2_ref[...] * (hcat - mean2) * lax.rsqrt(var2 + EPS) + be2_ref[...]
        lin = jnp.dot(hn, wd_ref[...], preferred_element_type=jnp.float32)
        lin = lin + bd_ref[...]
        mx = jnp.max(lin, axis=1, keepdims=True)
        e = jnp.exp(lin - mx)
        out_ref[...] = e / jnp.sum(e, axis=1, keepdims=True)


def _recurrence(x3, m01, krf, krb, g2, be2, wd, bd2):
    specs = [
        pl.BlockSpec((_S, B, EM), lambda t: (t, 0, 0)),
        pl.BlockSpec((_S, B, EM), lambda t: (T // _S - 1 - t, 0, 0)),
        pl.BlockSpec((_S, B, 1), lambda t: (t, 0, 0)),
        pl.BlockSpec((_S, B, 1), lambda t: (T // _S - 1 - t, 0, 0)),
        pl.BlockSpec((XK, 4 * U), lambda t: (0, 0)),
        pl.BlockSpec((XK, 4 * U), lambda t: (0, 0)),
        pl.BlockSpec((1, 2 * U), lambda t: (0, 0)),
        pl.BlockSpec((1, 2 * U), lambda t: (0, 0)),
        pl.BlockSpec((2 * U, OUT), lambda t: (0, 0)),
        pl.BlockSpec((1, OUT), lambda t: (0, 0)),
    ]
    return pl.pallas_call(
        _rec_body,
        grid=(T // _S,),
        in_specs=specs,
        out_specs=pl.BlockSpec((B, OUT), lambda t: (0, 0)),
        out_shape=jax.ShapeDtypeStruct((B, OUT), jnp.float32),
        scratch_shapes=[pltpu.VMEM((B, XK), jnp.bfloat16),
                        pltpu.VMEM((B, U), jnp.float32),
                        pltpu.VMEM((B, XK), jnp.bfloat16),
                        pltpu.VMEM((B, U), jnp.float32)],
    )(x3, x3, m01, m01, krf, krb, g2, be2, wd, bd2)


def kernel(tokens, embed_table, bn1_gamma, bn1_beta, k_fwd, r_fwd, b_fwd,
           k_bwd, r_bwd, b_bwd, bn2_gamma, bn2_beta, W_dense, b_dense):
    tokens = tokens.astype(jnp.int32)
    idx = tokens.T.reshape(N)
    x2d = _sc_gather(embed_table, idx)

    st, x_bf = _stats(x2d)
    mean1 = st[0] / N
    var1 = st[1] / N - mean1 * mean1
    a1 = bn1_gamma * lax.rsqrt(var1 + EPS)
    c1 = bn1_beta - mean1 * a1
    gate_scale = jnp.concatenate(
        [jnp.full((U,), 0.5), jnp.full((U,), 0.5),
         jnp.ones((U,)), jnp.full((U,), 0.5)]).astype(jnp.float32)[None]
    zpad = jnp.zeros((_XPAD - 1, 4 * U), jnp.float32)

    def stack_weights(k, r, b):
        bias = (c1 @ k + b)[None]
        kr = jnp.concatenate([a1[:, None] * k, r, bias, zpad], 0)
        return (kr * gate_scale).astype(jnp.bfloat16)

    krf = stack_weights(k_fwd, r_fwd, b_fwd)
    krb = stack_weights(k_bwd, r_bwd, b_bwd)

    x3 = x_bf.reshape(T, B, EM)
    m01 = (tokens != 0).astype(jnp.float32).T.reshape(T, B, 1)
    return _recurrence(x3, m01, krf, krb,
                       bn2_gamma[None], bn2_beta[None], W_dense,
                       b_dense[None])

# --- scband reference (transcript-rebuilt; emitter-appended) ---
"""Pipeline reference for scband-bi-lstm-73753178407543 (READ-ONLY COPY).

The authoritative reference and input builder live on the scoring server;
editing this copy changes nothing except your own understanding.
"""

import jax, jax.numpy as jnp
import numpy as np

VOCAB = 100000
EM = 128
U = 256
OUT = 64
B = 1024
T = 200
EPS = 1e-3  # Keras BatchNormalization default epsilon


def setup_inputs(seed: int = 0) -> dict:
    key = jax.random.key(seed)
    ks = jax.random.split(key, 12)
    inp = {}
    inp["tokens"] = jax.random.randint(ks[0], (B, T), 0, VOCAB, dtype=jnp.int64 if jax.config.read('jax_enable_x64') else jnp.int32)
    inp["embed_table"] = jax.random.normal(ks[1], (VOCAB, EM), dtype=jnp.float32) * 0.05
    inp["bn1_gamma"] = jnp.ones((EM,), dtype=jnp.float32)
    inp["bn1_beta"] = jnp.zeros((EM,), dtype=jnp.float32)
    inp["k_fwd"] = jax.random.normal(ks[2], (EM, 4 * U), dtype=jnp.float32) * 0.05
    inp["r_fwd"] = jax.random.normal(ks[3], (U, 4 * U), dtype=jnp.float32) * 0.05
    inp["b_fwd"] = jnp.zeros((4 * U,), dtype=jnp.float32)
    inp["k_bwd"] = jax.random.normal(ks[4], (EM, 4 * U), dtype=jnp.float32) * 0.05
    inp["r_bwd"] = jax.random.normal(ks[5], (U, 4 * U), dtype=jnp.float32) * 0.05
    inp["b_bwd"] = jnp.zeros((4 * U,), dtype=jnp.float32)
    inp["bn2_gamma"] = jnp.ones((2 * U,), dtype=jnp.float32)
    inp["bn2_beta"] = jnp.zeros((2 * U,), dtype=jnp.float32)
    inp["W_dense"] = jax.random.normal(ks[6], (2 * U, OUT), dtype=jnp.float32) * 0.05
    inp["b_dense"] = jnp.zeros((OUT,), dtype=jnp.float32)
    return inp


def _lstm(x_tbd, mask_tb, kernel, recurrent, bias, reverse):
    # Keras LSTM with masking: masked timesteps carry state through unchanged.
    # Gate order in Keras kernels: i, f, c(g), o.
    Bd = x_tbd.shape[1]
    Ud = recurrent.shape[0]
    h0 = jnp.zeros((Bd, Ud), dtype=x_tbd.dtype)
    c0 = jnp.zeros((Bd, Ud), dtype=x_tbd.dtype)

    def step(carry, inp_):
        h, c = carry
        xt, mt = inp_
        z = xt @ kernel + h @ recurrent + bias
        i, f, g, o = jnp.split(z, 4, axis=-1)
        i = jax.nn.sigmoid(i)
        f = jax.nn.sigmoid(f)
        g = jnp.tanh(g)
        o = jax.nn.sigmoid(o)
        c_new = f * c + i * g
        h_new = o * jnp.tanh(c_new)
        mm = mt[:, None]
        h2 = jnp.where(mm, h_new, h)
        c2 = jnp.where(mm, c_new, c)
        return (h2, c2), None

    (h_last, _), _ = jax.lax.scan(step, (h0, c0), (x_tbd, mask_tb), reverse=reverse)
    return h_last


def reference(tokens, embed_table, bn1_gamma, bn1_beta, k_fwd, r_fwd, b_fwd,
              k_bwd, r_bwd, b_bwd, bn2_gamma, bn2_beta, W_dense, b_dense):
    mask = tokens != 0  # mask_zero=True
    x = jnp.take(embed_table, tokens, axis=0)  # [B, T, EM] embedding gather
    # BatchNorm1 in training mode (batch statistics over batch+time, axis=-1)
    mean1 = jnp.mean(x, axis=(0, 1))
    var1 = jnp.var(x, axis=(0, 1))
    x = bn1_gamma * (x - mean1) / jnp.sqrt(var1 + EPS) + bn1_beta
    x_tbd = jnp.swapaxes(x, 0, 1)      # [T, B, EM]
    m_tb = jnp.swapaxes(mask, 0, 1)    # [T, B]
    h_f = _lstm(x_tbd, m_tb, k_fwd, r_fwd, b_fwd, reverse=False)
    h_b = _lstm(x_tbd, m_tb, k_bwd, r_bwd, b_bwd, reverse=True)
    h = jnp.concatenate([h_f, h_b], axis=-1)  # [B, 2U]
    # BatchNorm2 in training mode
    mean2 = jnp.mean(h, axis=0)
    var2 = jnp.var(h, axis=0)
    h = bn2_gamma * (h - mean2) / jnp.sqrt(var2 + EPS) + bn2_beta
    logits = jax.nn.softmax(h @ W_dense + b_dense, axis=-1)
    return logits

if __name__ == "__main__":
    import jax
    _d = setup_inputs()
    print(jax.jit(kernel)(*tuple(_d.values())))

</pallas_src>

<mosaic_0001>
#map = affine_map<(d0, d1) -> (0, 0)>
#map1 = affine_map<(d0, d1) -> (0)>
module attributes {stable_mosaic.version = 14 : i64} {
  func.func @k(%arg0: i32, %arg1: i32, %arg2: memref<100000x128xf32, #tpu.memory_space<hbm>>, %arg3: memref<204800xi32, #tpu.memory_space<hbm>>, %arg4: memref<204800x128xf32, #tpu.memory_space<hbm>>, %arg5: memref<128xi32, #tpu.memory_space<vmem>>, %arg6: memref<128xi32, #tpu.memory_space<vmem>>, %arg7: memref<128xi32, #tpu.memory_space<vmem>>, %arg8: memref<128xi32, #tpu.memory_space<vmem>>, %arg9: memref<128xi32, #tpu.memory_space<vmem>>, %arg10: memref<128x128xf32, #tpu.memory_space<vmem>>, %arg11: memref<128x128xf32, #tpu.memory_space<vmem>>, %arg12: memref<128x128xf32, #tpu.memory_space<vmem>>, %arg13: memref<128x128xf32, #tpu.memory_space<vmem>>, %arg14: memref<128x128xf32, #tpu.memory_space<vmem>>, %arg15: memref<!tpu.dma_semaphore, #tpu.memory_space<semaphore_mem>>, %arg16: memref<!tpu.dma_semaphore, #tpu.memory_space<semaphore_mem>>, %arg17: memref<!tpu.dma_semaphore, #tpu.memory_space<semaphore_mem>>, %arg18: memref<!tpu.dma_semaphore, #tpu.memory_space<semaphore_mem>>, %arg19: memref<!tpu.dma_semaphore, #tpu.memory_space<semaphore_mem>>, %arg20: memref<!tpu.dma_semaphore, #tpu.memory_space<semaphore_mem>>, %arg21: memref<!tpu.dma_semaphore, #tpu.memory_space<semaphore_mem>>, %arg22: memref<!tpu.dma_semaphore, #tpu.memory_space<semaphore_mem>>, %arg23: memref<!tpu.dma_semaphore, #tpu.memory_space<semaphore_mem>>, %arg24: memref<!tpu.dma_semaphore, #tpu.memory_space<semaphore_mem>>) attributes {dimension_semantics = [#tpu.dimension_semantics<core_parallel>, #tpu.dimension_semantics<subcore_parallel>], iteration_bounds = array<i64: 2, 16>, scalar_prefetch = 0 : i64, scratch_operands = 20 : i64, tpu.core_type = #tpu.core_type<sc_vector_subcore>, window_params = [{transform_indices = #map}, {transform_indices = #map1}, {transform_indices = #map}]} {
    %mul3A = arith.constant 2 : i32
    %mul3A_0 = arith.muli %arg1, %mul3A : i32
    %add3A = arith.addi %mul3A_0, %arg0 : i32
    %mul3A_1 = arith.constant 6400 : i32
    %mul3A_2 = arith.muli %add3A, %mul3A_1 : i32
    %scan3A = arith.constant 0 : i32
    %scan3A_3 = arith.constant 0 : i32
    %scan3A_4 = arith.constant 10 : i32
    %scan3A_5 = arith.addi %scan3A_3, %scan3A_4 : i32
    %scan3A_6 = arith.constant 1 : i32
    scf.for %scan3A_37 = %scan3A_3 to %scan3A_5 step %scan3A_6  : i32 {
      %mul3A_38 = arith.constant 5 : i32
      %mul3A_39 = arith.muli %mul3A_38, %scan3A_37 : i32
      %add3A_40 = arith.constant 0 : i32
      %add3A_41 = arith.addi %mul3A_39, %add3A_40 : i32
      %mul3A_42 = arith.constant 128 : i32
      %mul3A_43 = arith.muli %add3A_41, %mul3A_42 : i32
      %add3A_44 = arith.addi %mul3A_2, %mul3A_43 : i32
      %gt3A = arith.constant 0 : i32
      %gt3A_45 = arith.cmpi sgt, %scan3A_37, %gt3A : i32
      %convert_element_type3A = arith.extui %gt3A_45 : i1 to i32
      %cond3A = arith.constant 0 : i32
      %cond3A_46 = arith.cmpi ne, %convert_element_type3A, %cond3A : i32
      scf.if %cond3A_46 {
        %dma_wait3A_179 = arith.constant 0 : i32
        %dma_wait3A_180 = arith.constant 0 : i32
        %dma_wait3A_181 = tpu.memref_slice %arg4[%dma_wait3A_179, %dma_wait3A_180] : memref<204800x128xf32, #tpu.memory_space<hbm>> -> memref<128x128xf32, #tpu.memory_space<hbm>>
        %dma_wait3A_182 = arith.constant 0 : i32
        %dma_wait3A_183 = arith.constant 0 : i32
        %dma_wait3A_184 = tpu.memref_slice %arg4[%dma_wait3A_182, %dma_wait3A_183] : memref<204800x128xf32, #tpu.memory_space<hbm>> -> memref<128x128xf32, #tpu.memory_space<hbm>>
        tpu.wait_dma2 semaphore(%arg20 : memref<!tpu.dma_semaphore, #tpu.memory_space<semaphore_mem>>) src(%arg10 : memref<128x128xf32, #tpu.memory_space<vmem>>) dst(%dma_wait3A_184 : memref<128x128xf32, #tpu.memory_space<hbm>>)
      } else {
      }
      "tpu.region"() ({
        %run_scoped3A = tpu.sem_alloc : memref<!tpu.dma_semaphore, #tpu.memory_space<semaphore_mem>>
        %dma_start3A_179 = tpu.memref_slice %arg3[%add3A_44] : memref<204800xi32, #tpu.memory_space<hbm>> -> memref<128xi32, #tpu.memory_space<hbm>>
        %dma_start3A_180 = tpu.memref_slice %arg3[%add3A_44] : memref<204800xi32, #tpu.memory_space<hbm>> -> memref<128xi32, #tpu.memory_space<hbm>>
        tpu.enqueue_dma source(%dma_start3A_180 : memref<128xi32, #tpu.memory_space<hbm>>) target(%arg5 : memref<128xi32, #tpu.memory_space<vmem>>) target_semaphore(%run_scoped3A : memref<!tpu.dma_semaphore, #tpu.memory_space<semaphore_mem>>)
        %dma_wait3A_181 = tpu.memref_slice %arg3[%add3A_44] : memref<204800xi32, #tpu.memory_space<hbm>> -> memref<128xi32, #tpu.memory_space<hbm>>
        %dma_wait3A_182 = tpu.memref_slice %arg3[%add3A_44] : memref<204800xi32, #tpu.memory_space<hbm>> -> memref<128xi32, #tpu.memory_space<hbm>>
        tpu.wait_dma2 semaphore(%run_scoped3A : memref<!tpu.dma_semaphore, #tpu.memory_space<semaphore_mem>>) src(%dma_wait3A_182 : memref<128xi32, #tpu.memory_space<hbm>>) dst(%arg5 : memref<128xi32, #tpu.memory_space<vmem>>)
        tpu.yield
      }) : () -> ()
      %dma_start3A = arith.constant 0 : i32
      %dma_start3A_47 = arith.constant 0 : i32
      %dma_start3A_48 = tpu.memref_slice %arg2[%dma_start3A, %dma_start3A_47] : memref<100000x128xf32, #tpu.memory_space<hbm>> -> memref<100000x128xf32, #tpu.memory_space<hbm>>
      tpu.enqueue_indirect_dma source(%dma_start3A_48 : memref<100000x128xf32, #tpu.memory_space<hbm>>) target(%arg10 : memref<128x128xf32, #tpu.memory_space<vmem>>) offsets(%arg5 : memref<128xi32, #tpu.memory_space<vmem>>) semaphore(%arg15 : memref<!tpu.dma_semaphore, #tpu.memory_space<semaphore_mem>>)
      %mul3A_49 = arith.constant 5 : i32
      %mul3A_50 = arith.muli %mul3A_49, %scan3A_37 : i32
      %add3A_51 = arith.constant 1 : i32
      %add3A_52 = arith.addi %mul3A_50, %add3A_51 : i32
      %mul3A_53 = arith.constant 128 : i32
      %mul3A_54 = arith.muli %add3A_52, %mul3A_53 : i32
      %add3A_55 = arith.addi %mul3A_2, %mul3A_54 : i32
      %gt3A_56 = arith.constant 0 : i32
      %gt3A_57 = arith.cmpi sgt, %scan3A_37, %gt3A_56 : i32
      %convert_element_type3A_58 = arith.extui %gt3A_57 : i1 to i32
      %cond3A_59 = arith.constant 0 : i32
      %cond3A_60 = arith.cmpi ne, %convert_element_type3A_58, %cond3A_59 : i32
      scf.if %cond3A_60 {
        %dma_wait3A_179 = arith.constant 0 : i32
        %dma_wait3A_180 = arith.constant 0 : i32
        %dma_wait3A_181 = tpu.memref_slice %arg4[%dma_wait3A_179, %dma_wait3A_180] : memref<204800x128xf32, #tpu.memory_space<hbm>> -> memref<128x128xf32, #tpu.memory_space<hbm>>
        %dma_wait3A_182 = arith.constant 0 : i32
        %dma_wait3A_183 = arith.constant 0 : i32
        %dma_wait3A_184 = tpu.memref_slice %arg4[%dma_wait3A_182, %dma_wait3A_183] : memref<204800x128xf32, #tpu.memory_space<hbm>> -> memref<128x128xf32, #tpu.memory_space<hbm>>
        tpu.wait_dma2 semaphore(%arg21 : memref<!tpu.dma_semaphore, #tpu.memory_space<semaphore_mem>>) src(%arg11 : memref<128x128xf32, #tpu.memory_space<vmem>>) dst(%dma_wait3A_184 : memref<128x128xf32, #tpu.memory_space<hbm>>)
      } else {
      }
      "tpu.region"() ({
        %run_scoped3A = tpu.sem_alloc : memref<!tpu.dma_semaphore, #tpu.memory_space<semaphore_mem>>
        %dma_start3A_179 = tpu.memref_slice %arg3[%add3A_55] : memref<204800xi32, #tpu.memory_space<hbm>> -> memref<128xi32, #tpu.memory_space<hbm>>
        %dma_start3A_180 = tpu.memref_slice %arg3[%add3A_55] : memref<204800xi32, #tpu.memory_space<hbm>> -> memref<128xi32, #tpu.memory_space<hbm>>
        tpu.enqueue_dma source(%dma_start3A_180 : memref<128xi32, #tpu.memory_space<hbm>>) target(%arg6 : memref<128xi32, #tpu.memory_space<vmem>>) target_semaphore(%run_scoped3A : memref<!tpu.dma_semaphore, #tpu.memory_space<semaphore_mem>>)
        %dma_wait3A_181 = tpu.memref_slice %arg3[%add3A_55] : memref<204800xi32, #tpu.memory_space<hbm>> -> memref<128xi32, #tpu.memory_space<hbm>>
        %dma_wait3A_182 = tpu.memref_slice %arg3[%add3A_55] : memref<204800xi32, #tpu.memory_space<hbm>> -> memref<128xi32, #tpu.memory_space<hbm>>
        tpu.wait_dma2 semaphore(%run_scoped3A : memref<!tpu.dma_semaphore, #tpu.memory_space<semaphore_mem>>) src(%dma_wait3A_182 : memref<128xi32, #tpu.memory_space<hbm>>) dst(%arg6 : memref<128xi32, #tpu.memory_space<vmem>>)
        tpu.yield
      }) : () -> ()
      %dma_start3A_61 = arith.constant 0 : i32
      %dma_start3A_62 = arith.constant 0 : i32
      %dma_start3A_63 = tpu.memref_slice %arg2[%dma_start3A_61, %dma_start3A_62] : memref<100000x128xf32, #tpu.memory_space<hbm>> -> memref<100000x128xf32, #tpu.memory_space<hbm>>
      tpu.enqueue_indirect_dma source(%dma_start3A_63 : memref<100000x128xf32, #tpu.memory_space<hbm>>) target(%arg11 : memref<128x128xf32, #tpu.memory_space<vmem>>) offsets(%arg6 : memref<128xi32, #tpu.memory_space<vmem>>) semaphore(%arg16 : memref<!tpu.dma_semaphore, #tpu.memory_space<semaphore_mem>>)
      %mul3A_64 = arith.constant 5 : i32
      %mul3A_65 = arith.muli %mul3A_64, %scan3A_37 : i32
      %add3A_66 = arith.constant 2 : i32
      %add3A_67 = arith.addi %mul3A_65, %add3A_66 : i32
      %mul3A_68 = arith.constant 128 : i32
      %mul3A_69 = arith.muli %add3A_67, %mul3A_68 : i32
      %add3A_70 = arith.addi %mul3A_2, %mul3A_69 : i32
      %gt3A_71 = arith.constant 0 : i32
      %gt3A_72 = arith.cmpi sgt, %scan3A_37, %gt3A_71 : i32
      %convert_element_type3A_73 = arith.extui %gt3A_72 : i1 to i32
      %cond3A_74 = arith.constant 0 : i32
      %cond3A_75 = arith.cmpi ne, %convert_element_type3A_73, %cond3A_74 : i32
      scf.if %cond3A_75 {
        %dma_wait3A_179 = arith.constant 0 : i32
        %dma_wait3A_180 = arith.constant 0 : i32
        %dma_wait3A_181 = tpu.memref_slice %arg4[%dma_wait3A_179, %dma_wait3A_180] : memref<204800x128xf32, #tpu.memory_space<hbm>> -> memref<128x128xf32, #tpu.memory_space<hbm>>
        %dma_wait3A_182 = arith.constant 0 : i32
        %dma_wait3A_183 = arith.constant 0 : i32
        %dma_wait3A_184 = tpu.memref_slice %arg4[%dma_wait3A_182, %dma_wait3A_183] : memref<204800x128xf32, #tpu.memory_space<hbm>> -> memref<128x128xf32, #tpu.memory_space<hbm>>
        tpu.wait_dma2 semaphore(%arg22 : memref<!tpu.dma_semaphore, #tpu.memory_space<semaphore_mem>>) src(%arg12 : memref<128x128xf32, #tpu.memory_space<vmem>>) dst(%dma_wait3A_184 : memref<128x128xf32, #tpu.memory_space<hbm>>)
      } else {
      }
      "tpu.region"() ({
        %run_scoped3A = tpu.sem_alloc : memref<!tpu.dma_semaphore, #tpu.memory_space<semaphore_mem>>
        %dma_start3A_179 = tpu.memref_slice %arg3[%add3A_70] : memref<204800xi32, #tpu.memory_space<hbm>> -> memref<128xi32, #tpu.memory_space<hbm>>
        %dma_start3A_180 = tpu.memref_slice %arg3[%add3A_70] : memref<204800xi32, #tpu.memory_space<hbm>> -> memref<128xi32, #tpu.memory_space<hbm>>
        tpu.enqueue_dma source(%dma_start3A_180 : memref<128xi32, #tpu.memory_space<hbm>>) target(%arg7 : memref<128xi32, #tpu.memory_space<vmem>>) target_semaphore(%run_scoped3A : memref<!tpu.dma_semaphore, #tpu.memory_space<semaphore_mem>>)
        %dma_wait3A_181 = tpu.memref_slice %arg3[%add3A_70] : memref<204800xi32, #tpu.memory_space<hbm>> -> memref<128xi32, #tpu.memory_space<hbm>>
        %dma_wait3A_182 = tpu.memref_slice %arg3[%add3A_70] : memref<204800xi32, #tpu.memory_space<hbm>> -> memref<128xi32, #tpu.memory_space<hbm>>
        tpu.wait_dma2 semaphore(%run_scoped3A : memref<!tpu.dma_semaphore, #tpu.memory_space<semaphore_mem>>) src(%dma_wait3A_182 : memref<128xi32, #tpu.memory_space<hbm>>) dst(%arg7 : memref<128xi32, #tpu.memory_space<vmem>>)
        tpu.yield
      }) : () -> ()
      %dma_start3A_76 = arith.constant 0 : i32
      %dma_start3A_77 = arith.constant 0 : i32
      %dma_start3A_78 = tpu.memref_slice %arg2[%dma_start3A_76, %dma_start3A_77] : memref<100000x128xf32, #tpu.memory_space<hbm>> -> memref<100000x128xf32, #tpu.memory_space<hbm>>
      tpu.enqueue_indirect_dma source(%dma_start3A_78 : memref<100000x128xf32, #tpu.memory_space<hbm>>) target(%arg12 : memref<128x128xf32, #tpu.memory_space<vmem>>) offsets(%arg7 : memref<128xi32, #tpu.memory_space<vmem>>) semaphore(%arg17 : memref<!tpu.dma_semaphore, #tpu.memory_space<semaphore_mem>>)
      %mul3A_79 = arith.constant 5 : i32
      %mul3A_80 = arith.muli %mul3A_79, %scan3A_37 : i32
      %add3A_81 = arith.constant 3 : i32
      %add3A_82 = arith.addi %mul3A_80, %add3A_81 : i32
      %mul3A_83 = arith.constant 128 : i32
      %mul3A_84 = arith.muli %add3A_82, %mul3A_83 : i32
      %add3A_85 = arith.addi %mul3A_2, %mul3A_84 : i32
      %gt3A_86 = arith.constant 0 : i32
      %gt3A_87 = arith.cmpi sgt, %scan3A_37, %gt3A_86 : i32
      %convert_element_type3A_88 = arith.extui %gt3A_87 : i1 to i32
      %cond3A_89 = arith.constant 0 : i32
      %cond3A_90 = arith.cmpi ne, %convert_element_type3A_88, %cond3A_89 : i32
      scf.if %cond3A_90 {
        %dma_wait3A_179 = arith.constant 0 : i32
        %dma_wait3A_180 = arith.constant 0 : i32
        %dma_wait3A_181 = tpu.memref_slice %arg4[%dma_wait3A_179, %dma_wait3A_180] : memref<204800x128xf32, #tpu.memory_space<hbm>> -> memref<128x128xf32, #tpu.memory_space<hbm>>
        %dma_wait3A_182 = arith.constant 0 : i32
        %dma_wait3A_183 = arith.constant 0 : i32
        %dma_wait3A_184 = tpu.memref_slice %arg4[%dma_wait3A_182, %dma_wait3A_183] : memref<204800x128xf32, #tpu.memory_space<hbm>> -> memref<128x128xf32, #tpu.memory_space<hbm>>
        tpu.wait_dma2 semaphore(%arg23 : memref<!tpu.dma_semaphore, #tpu.memory_space<semaphore_mem>>) src(%arg13 : memref<128x128xf32, #tpu.memory_space<vmem>>) dst(%dma_wait3A_184 : memref<128x128xf32, #tpu.memory_space<hbm>>)
      } else {
      }
      "tpu.region"() ({
        %run_scoped3A = tpu.sem_alloc : memref<!tpu.dma_semaphore, #tpu.memory_space<semaphore_mem>>
        %dma_start3A_179 = tpu.memref_slice %arg3[%add3A_85] : memref<204800xi32, #tpu.memory_space<hbm>> -> memref<128xi32, #tpu.memory_space<hbm>>
        %dma_start3A_180 = tpu.memref_slice %arg3[%add3A_85] : memref<204800xi32, #tpu.memory_space<hbm>> -> memref<128xi32, #tpu.memory_space<hbm>>
        tpu.enqueue_dma source(%dma_start3A_180 : memref<128xi32, #tpu.memory_space<hbm>>) target(%arg8 : memref<128xi32, #tpu.memory_space<vmem>>) target_semaphore(%run_scoped3A : memref<!tpu.dma_semaphore, #tpu.memory_space<semaphore_mem>>)
        %dma_wait3A_181 = tpu.memref_slice %arg3[%add3A_85] : memref<204800xi32, #tpu.memory_space<hbm>> -> memref<128xi32, #tpu.memory_space<hbm>>
        %dma_wait3A_182 = tpu.memref_slice %arg3[%add3A_85] : memref<204800xi32, #tpu.memory_space<hbm>> -> memref<128xi32, #tpu.memory_space<hbm>>
        tpu.wait_dma2 semaphore(%run_scoped3A : memref<!tpu.dma_semaphore, #tpu.memory_space<semaphore_mem>>) src(%dma_wait3A_182 : memref<128xi32, #tpu.memory_space<hbm>>) dst(%arg8 : memref<128xi32, #tpu.memory_space<vmem>>)
        tpu.yield
      }) : () -> ()
      %dma_start3A_91 = arith.constant 0 : i32
      %dma_start3A_92 = arith.constant 0 : i32
      %dma_start3A_93 = tpu.memref_slice %arg2[%dma_start3A_91, %dma_start3A_92] : memref<100000x128xf32, #tpu.memory_space<hbm>> -> memref<100000x128xf32, #tpu.memory_space<hbm>>
      tpu.enqueue_indirect_dma source(%dma_start3A_93 : memref<100000x128xf32, #tpu.memory_space<hbm>>) target(%arg13 : memref<128x128xf32, #tpu.memory_space<vmem>>) offsets(%arg8 : memref<128xi32, #tpu.memory_space<vmem>>) semaphore(%arg18 : memref<!tpu.dma_semaphore, #tpu.memory_space<semaphore_mem>>)
      %mul3A_94 = arith.constant 5 : i32
      %mul3A_95 = arith.muli %mul3A_94, %scan3A_37 : i32
      %add3A_96 = arith.constant 4 : i32
      %add3A_97 = arith.addi %mul3A_95, %add3A_96 : i32
      %mul3A_98 = arith.constant 128 : i32
      %mul3A_99 = arith.muli %add3A_97, %mul3A_98 : i32
      %add3A_100 = arith.addi %mul3A_2, %mul3A_99 : i32
      %gt3A_101 = arith.constant 0 : i32
      %gt3A_102 = arith.cmpi sgt, %scan3A_37, %gt3A_101 : i32
      %convert_element_type3A_103 = arith.extui %gt3A_102 : i1 to i32
      %cond3A_104 = arith.constant 0 : i32
      %cond3A_105 = arith.cmpi ne, %convert_element_type3A_103, %cond3A_104 : i32
      scf.if %cond3A_105 {
        %dma_wait3A_179 = arith.constant 0 : i32
        %dma_wait3A_180 = arith.constant 0 : i32
        %dma_wait3A_181 = tpu.memref_slice %arg4[%dma_wait3A_179, %dma_wait3A_180] : memref<204800x128xf32, #tpu.memory_space<hbm>> -> memref<128x128xf32, #tpu.memory_space<hbm>>
        %dma_wait3A_182 = arith.constant 0 : i32
        %dma_wait3A_183 = arith.constant 0 : i32
        %dma_wait3A_184 = tpu.memref_slice %arg4[%dma_wait3A_182, %dma_wait3A_183] : memref<204800x128xf32, #tpu.memory_space<hbm>> -> memref<128x128xf32, #tpu.memory_space<hbm>>
        tpu.wait_dma2 semaphore(%arg24 : memref<!tpu.dma_semaphore, #tpu.memory_space<semaphore_mem>>) src(%arg14 : memref<128x128xf32, #tpu.memory_space<vmem>>) dst(%dma_wait3A_184 : memref<128x128xf32, #tpu.memory_space<hbm>>)
      } else {
      }
      "tpu.region"() ({
        %run_scoped3A = tpu.sem_alloc : memref<!tpu.dma_semaphore, #tpu.memory_space<semaphore_mem>>
        %dma_start3A_179 = tpu.memref_slice %arg3[%add3A_100] : memref<204800xi32, #tpu.memory_space<hbm>> -> memref<128xi32, #tpu.memory_space<hbm>>
        %dma_start3A_180 = tpu.memref_slice %arg3[%add3A_100] : memref<204800xi32, #tpu.memory_space<hbm>> -> memref<128xi32, #tpu.memory_space<hbm>>
        tpu.enqueue_dma source(%dma_start3A_180 : memref<128xi32, #tpu.memory_space<hbm>>) target(%arg9 : memref<128xi32, #tpu.memory_space<vmem>>) target_semaphore(%run_scoped3A : memref<!tpu.dma_semaphore, #tpu.memory_space<semaphore_mem>>)
        %dma_wait3A_181 = tpu.memref_slice %arg3[%add3A_100] : memref<204800xi32, #tpu.memory_space<hbm>> -> memref<128xi32, #tpu.memory_space<hbm>>
        %dma_wait3A_182 = tpu.memref_slice %arg3[%add3A_100] : memref<204800xi32, #tpu.memory_space<hbm>> -> memref<128xi32, #tpu.memory_space<hbm>>
        tpu.wait_dma2 semaphore(%run_scoped3A : memref<!tpu.dma_semaphore, #tpu.memory_space<semaphore_mem>>) src(%dma_wait3A_182 : memref<128xi32, #tpu.memory_space<hbm>>) dst(%arg9 : memref<128xi32, #tpu.memory_space<vmem>>)
        tpu.yield
      }) : () -> ()
      %dma_start3A_106 = arith.constant 0 : i32
      %dma_start3A_107 = arith.constant 0 : i32
      %dma_start3A_108 = tpu.memref_slice %arg2[%dma_start3A_106, %dma_start3A_107] : memref<100000x128xf32, #tpu.memory_space<hbm>> -> memref<100000x128xf32, #tpu.memory_space<hbm>>
      tpu.enqueue_indirect_dma source(%dma_start3A_108 : memref<100000x128xf32, #tpu.memory_space<hbm>>) target(%arg14 : memref<128x128xf32, #tpu.memory_space<vmem>>) offsets(%arg9 : memref<128xi32, #tpu.memory_space<vmem>>) semaphore(%arg19 : memref<!tpu.dma_semaphore, #tpu.memory_space<semaphore_mem>>)
      %mul3A_109 = arith.constant 5 : i32
      %mul3A_110 = arith.muli %mul3A_109, %scan3A_37 : i32
      %add3A_111 = arith.constant 0 : i32
      %add3A_112 = arith.addi %mul3A_110, %add3A_111 : i32
      %mul3A_113 = arith.constant 128 : i32
      %mul3A_114 = arith.muli %add3A_112, %mul3A_113 : i32
      %add3A_115 = arith.addi %mul3A_2, %mul3A_114 : i32
      %dma_wait3A_116 = arith.constant 0 : i32
      %dma_wait3A_117 = arith.constant 0 : i32
      %dma_wait3A_118 = tpu.memref_slice %arg2[%dma_wait3A_116, %dma_wait3A_117] : memref<100000x128xf32, #tpu.memory_space<hbm>> -> memref<100000x128xf32, #tpu.memory_space<hbm>>
      tpu.wait_indirect_dma semaphore(%arg15 : memref<!tpu.dma_semaphore, #tpu.memory_space<semaphore_mem>>) src(%dma_wait3A_118 : memref<100000x128xf32, #tpu.memory_space<hbm>>) dst(%arg10 : memref<128x128xf32, #tpu.memory_space<vmem>>)
      %dma_start3A_119 = arith.constant 0 : i32
      %dma_start3A_120 = tpu.memref_slice %arg4[%add3A_115, %dma_start3A_119] : memref<204800x128xf32, #tpu.memory_space<hbm>> -> memref<128x128xf32, #tpu.memory_space<hbm>>
      %dma_start3A_121 = arith.constant 0 : i32
      %dma_start3A_122 = tpu.memref_slice %arg4[%add3A_115, %dma_start3A_121] : memref<204800x128xf32, #tpu.memory_space<hbm>> -> memref<128x128xf32, #tpu.memory_space<hbm>>
      tpu.enqueue_dma source(%arg10 : memref<128x128xf32, #tpu.memory_space<vmem>>) target(%dma_start3A_122 : memref<128x128xf32, #tpu.memory_space<hbm>>) target_semaphore(%arg20 : memref<!tpu.dma_semaphore, #tpu.memory_space<semaphore_mem>>)
      %mul3A_123 = arith.constant 5 : i32
      %mul3A_124 = arith.muli %mul3A_123, %scan3A_37 : i32
      %add3A_125 = arith.constant 1 : i32
      %add3A_126 = arith.addi %mul3A_124, %add3A_125 : i32
      %mul3A_127 = arith.constant 128 : i32
      %mul3A_128 = arith.muli %add3A_126, %mul3A_127 : i32
      %add3A_129 = arith.addi %mul3A_2, %mul3A_128 : i32
      %dma_wait3A_130 = arith.constant 0 : i32
      %dma_wait3A_131 = arith.constant 0 : i32
      %dma_wait3A_132 = tpu.memref_slice %arg2[%dma_wait3A_130, %dma_wait3A_131] : memref<100000x128xf32, #tpu.memory_space<hbm>> -> memref<100000x128xf32, #tpu.memory_space<hbm>>
      tpu.wait_indirect_dma semaphore(%arg16 : memref<!tpu.dma_semaphore, #tpu.memory_space<semaphore_mem>>) src(%dma_wait3A_132 : memref<100000x128xf32, #tpu.memory_space<hbm>>) dst(%arg11 : memref<128x128xf32, #tpu.memory_space<vmem>>)
      %dma_start3A_133 = arith.constant 0 : i32
      %dma_start3A_134 = tpu.memref_slice %arg4[%add3A_129, %dma_start3A_133] : memref<204800x128xf32, #tpu.memory_space<hbm>> -> memref<128x128xf32, #tpu.memory_space<hbm>>
      %dma_start3A_135 = arith.constant 0 : i32
      %dma_start3A_136 = tpu.memref_slice %arg4[%add3A_129, %dma_start3A_135] : memref<204800x128xf32, #tpu.memory_space<hbm>> -> memref<128x128xf32, #tpu.memory_space<hbm>>
      tpu.enqueue_dma source(%arg11 : memref<128x128xf32, #tpu.memory_space<vmem>>) target(%dma_start3A_136 : memref<128x128xf32, #tpu.memory_space<hbm>>) target_semaphore(%arg21 : memref<!tpu.dma_semaphore, #tpu.memory_space<semaphore_mem>>)
      %mul3A_137 = arith.constant 5 : i32
      %mul3A_138 = arith.muli %mul3A_137, %scan3A_37 : i32
      %add3A_139 = arith.constant 2 : i32
      %add3A_140 = arith.addi %mul3A_138, %add3A_139 : i32
      %mul3A_141 = arith.constant 128 : i32
      %mul3A_142 = arith.muli %add3A_140, %mul3A_141 : i32
      %add3A_143 = arith.addi %mul3A_2, %mul3A_142 : i32
      %dma_wait3A_144 = arith.constant 0 : i32
      %dma_wait3A_145 = arith.constant 0 : i32
      %dma_wait3A_146 = tpu.memref_slice %arg2[%dma_wait3A_144, %dma_wait3A_145] : memref<100000x128xf32, #tpu.memory_space<hbm>> -> memref<100000x128xf32, #tpu.memory_space<hbm>>
      tpu.wait_indirect_dma semaphore(%arg17 : memref<!tpu.dma_semaphore, #tpu.memory_space<semaphore_mem>>) src(%dma_wait3A_146 : memref<100000x128xf32, #tpu.memory_space<hbm>>) dst(%arg12 : memref<128x128xf32, #tpu.memory_space<vmem>>)
      %dma_start3A_147 = arith.constant 0 : i32
      %dma_start3A_148 = tpu.memref_slice %arg4[%add3A_143, %dma_start3A_147] : memref<204800x128xf32, #tpu.memory_space<hbm>> -> memref<128x128xf32, #tpu.memory_space<hbm>>
      %dma_start3A_149 = arith.constant 0 : i32
      %dma_start3A_150 = tpu.memref_slice %arg4[%add3A_143, %dma_start3A_149] : memref<204800x128xf32, #tpu.memory_space<hbm>> -> memref<128x128xf32, #tpu.memory_space<hbm>>
      tpu.enqueue_dma source(%arg12 : memref<128x128xf32, #tpu.memory_space<vmem>>) target(%dma_start3A_150 : memref<128x128xf32, #tpu.memory_space<hbm>>) target_semaphore(%arg22 : memref<!tpu.dma_semaphore, #tpu.memory_space<semaphore_mem>>)
      %mul3A_151 = arith.constant 5 : i32
      %mul3A_152 = arith.muli %mul3A_151, %scan3A_37 : i32
      %add3A_153 = arith.constant 3 : i32
      %add3A_154 = arith.addi %mul3A_152, %add3A_153 : i32
      %mul3A_155 = arith.constant 128 : i32
      %mul3A_156 = arith.muli %add3A_154, %mul3A_155 : i32
      %add3A_157 = arith.addi %mul3A_2, %mul3A_156 : i32
      %dma_wait3A_158 = arith.constant 0 : i32
      %dma_wait3A_159 = arith.constant 0 : i32
      %dma_wait3A_160 = tpu.memref_slice %arg2[%dma_wait3A_158, %dma_wait3A_159] : memref<100000x128xf32, #tpu.memory_space<hbm>> -> memref<100000x128xf32, #tpu.memory_space<hbm>>
      tpu.wait_indirect_dma semaphore(%arg18 : memref<!tpu.dma_semaphore, #tpu.memory_space<semaphore_mem>>) src(%dma_wait3A_160 : memref<100000x128xf32, #tpu.memory_space<hbm>>) dst(%arg13 : memref<128x128xf32, #tpu.memory_space<vmem>>)
      %dma_start3A_161 = arith.constant 0 : i32
      %dma_start3A_162 = tpu.memref_slice %arg4[%add3A_157, %dma_start3A_161] : memref<204800x128xf32, #tpu.memory_space<hbm>> -> memref<128x128xf32, #tpu.memory_space<hbm>>
      %dma_start3A_163 = arith.constant 0 : i32
      %dma_start3A_164 = tpu.memref_slice %arg4[%add3A_157, %dma_start3A_163] : memref<204800x128xf32, #tpu.memory_space<hbm>> -> memref<128x128xf32, #tpu.memory_space<hbm>>
      tpu.enqueue_dma source(%arg13 : memref<128x128xf32, #tpu.memory_space<vmem>>) target(%dma_start3A_164 : memref<128x128xf32, #tpu.memory_space<hbm>>) target_semaphore(%arg23 : memref<!tpu.dma_semaphore, #tpu.memory_space<semaphore_mem>>)
      %mul3A_165 = arith.constant 5 : i32
      %mul3A_166 = arith.muli %mul3A_165, %scan3A_37 : i32
      %add3A_167 = arith.constant 4 : i32
      %add3A_168 = arith.addi %mul3A_166, %add3A_167 : i32
      %mul3A_169 = arith.constant 128 : i32
      %mul3A_170 = arith.muli %add3A_168, %mul3A_169 : i32
      %add3A_171 = arith.addi %mul3A_2, %mul3A_170 : i32
      %dma_wait3A_172 = arith.constant 0 : i32
      %dma_wait3A_173 = arith.constant 0 : i32
      %dma_wait3A_174 = tpu.memref_slice %arg2[%dma_wait3A_172, %dma_wait3A_173] : memref<100000x128xf32, #tpu.memory_space<hbm>> -> memref<100000x128xf32, #tpu.memory_space<hbm>>
      tpu.wait_indirect_dma semaphore(%arg19 : memref<!tpu.dma_semaphore, #tpu.memory_space<semaphore_mem>>) src(%dma_wait3A_174 : memref<100000x128xf32, #tpu.memory_space<hbm>>) dst(%arg14 : memref<128x128xf32, #tpu.memory_space<vmem>>)
      %dma_start3A_175 = arith.constant 0 : i32
      %dma_start3A_176 = tpu.memref_slice %arg4[%add3A_171, %dma_start3A_175] : memref<204800x128xf32, #tpu.memory_space<hbm>> -> memref<128x128xf32, #tpu.memory_space<hbm>>
      %dma_start3A_177 = arith.constant 0 : i32
      %dma_start3A_178 = tpu.memref_slice %arg4[%add3A_171, %dma_start3A_177] : memref<204800x128xf32, #tpu.memory_space<hbm>> -> memref<128x128xf32, #tpu.memory_space<hbm>>
      tpu.enqueue_dma source(%arg14 : memref<128x128xf32, #tpu.memory_space<vmem>>) target(%dma_start3A_178 : memref<128x128xf32, #tpu.memory_space<hbm>>) target_semaphore(%arg24 : memref<!tpu.dma_semaphore, #tpu.memory_space<semaphore_mem>>)
    }
    %scan3A_7 = arith.constant 10 : i32
    %dma_wait3A = arith.constant 0 : i32
    %dma_wait3A_8 = arith.constant 0 : i32
    %dma_wait3A_9 = tpu.memref_slice %arg4[%dma_wait3A, %dma_wait3A_8] : memref<204800x128xf32, #tpu.memory_space<hbm>> -> memref<128x128xf32, #tpu.memory_space<hbm>>
    %dma_wait3A_10 = arith.constant 0 : i32
    %dma_wait3A_11 = arith.constant 0 : i32
    %dma_wait3A_12 = tpu.memref_slice %arg4[%dma_wait3A_10, %dma_wait3A_11] : memref<204800x128xf32, #tpu.memory_space<hbm>> -> memref<128x128xf32, #tpu.memory_space<hbm>>
    tpu.wait_dma2 semaphore(%arg20 : memref<!tpu.dma_semaphore, #tpu.memory_space<semaphore_mem>>) src(%arg10 : memref<128x128xf32, #tpu.memory_space<vmem>>) dst(%dma_wait3A_12 : memref<128x128xf32, #tpu.memory_space<hbm>>)
    %dma_wait3A_13 = arith.constant 0 : i32
    %dma_wait3A_14 = arith.constant 0 : i32
    %dma_wait3A_15 = tpu.memref_slice %arg4[%dma_wait3A_13, %dma_wait3A_14] : memref<204800x128xf32, #tpu.memory_space<hbm>> -> memref<128x128xf32, #tpu.memory_space<hbm>>
    %dma_wait3A_16 = arith.constant 0 : i32
    %dma_wait3A_17 = arith.constant 0 : i32
    %dma_wait3A_18 = tpu.memref_slice %arg4[%dma_wait3A_16, %dma_wait3A_17] : memref<204800x128xf32, #tpu.memory_space<hbm>> -> memref<128x128xf32, #tpu.memory_space<hbm>>
    tpu.wait_dma2 semaphore(%arg21 : memref<!tpu.dma_semaphore, #tpu.memory_space<semaphore_mem>>) src(%arg11 : memref<128x128xf32, #tpu.memory_space<vmem>>) dst(%dma_wait3A_18 : memref<128x128xf32, #tpu.memory_space<hbm>>)
    %dma_wait3A_19 = arith.constant 0 : i32
    %dma_wait3A_20 = arith.constant 0 : i32
    %dma_wait3A_21 = tpu.memref_slice %arg4[%dma_wait3A_19, %dma_wait3A_20] : memref<204800x128xf32, #tpu.memory_space<hbm>> -> memref<128x128xf32, #tpu.memory_space<hbm>>
    %dma_wait3A_22 = arith.constant 0 : i32
    %dma_wait3A_23 = arith.constant 0 : i32
    %dma_wait3A_24 = tpu.memref_slice %arg4[%dma_wait3A_22, %dma_wait3A_23] : memref<204800x128xf32, #tpu.memory_space<hbm>> -> memref<128x128xf32, #tpu.memory_space<hbm>>
    tpu.wait_dma2 semaphore(%arg22 : memref<!tpu.dma_semaphore, #tpu.memory_space<semaphore_mem>>) src(%arg12 : memref<128x128xf32, #tpu.memory_space<vmem>>) dst(%dma_wait3A_24 : memref<128x128xf32, #tpu.memory_space<hbm>>)
    %dma_wait3A_25 = arith.constant 0 : i32
    %dma_wait3A_26 = arith.constant 0 : i32
    %dma_wait3A_27 = tpu.memref_slice %arg4[%dma_wait3A_25, %dma_wait3A_26] : memref<204800x128xf32, #tpu.memory_space<hbm>> -> memref<128x128xf32, #tpu.memory_space<hbm>>
    %dma_wait3A_28 = arith.constant 0 : i32
    %dma_wait3A_29 = arith.constant 0 : i32
    %dma_wait3A_30 = tpu.memref_slice %arg4[%dma_wait3A_28, %dma_wait3A_29] : memref<204800x128xf32, #tpu.memory_space<hbm>> -> memref<128x128xf32, #tpu.memory_space<hbm>>
    tpu.wait_dma2 semaphore(%arg23 : memref<!tpu.dma_semaphore, #tpu.memory_space<semaphore_mem>>) src(%arg13 : memref<128x128xf32, #tpu.memory_space<vmem>>) dst(%dma_wait3A_30 : memref<128x128xf32, #tpu.memory_space<hbm>>)
    %dma_wait3A_31 = arith.constant 0 : i32
    %dma_wait3A_32 = arith.constant 0 : i32
    %dma_wait3A_33 = tpu.memref_slice %arg4[%dma_wait3A_31, %dma_wait3A_32] : memref<204800x128xf32, #tpu.memory_space<hbm>> -> memref<128x128xf32, #tpu.memory_space<hbm>>
    %dma_wait3A_34 = arith.constant 0 : i32
    %dma_wait3A_35 = arith.constant 0 : i32
    %dma_wait3A_36 = tpu.memref_slice %arg4[%dma_wait3A_34, %dma_wait3A_35] : memref<204800x128xf32, #tpu.memory_space<hbm>> -> memref<128x128xf32, #tpu.memory_space<hbm>>
    tpu.wait_dma2 semaphore(%arg24 : memref<!tpu.dma_semaphore, #tpu.memory_space<semaphore_mem>>) src(%arg14 : memref<128x128xf32, #tpu.memory_space<vmem>>) dst(%dma_wait3A_36 : memref<128x128xf32, #tpu.memory_space<hbm>>)
    return
  }
}

module attributes {stable_mosaic.version = 14 : i64} {
  func.func @_stats_body(%arg0: i32, %arg1: memref<8192x128xf32, #tpu.memory_space<vmem>>, %arg2: memref<2x128xf32, #tpu.memory_space<vmem>>, %arg3: memref<8192x128xbf16, #tpu.memory_space<vmem>>) attributes {dimension_semantics = [#tpu.dimension_semantics<arbitrary>], iteration_bounds = array<i64: 25>, scalar_prefetch = 0 : i64, scratch_operands = 0 : i64, tpu.core_type = #tpu.core_type<tc>, window_params = [{transform_indices = @transform_0, window_bounds = array<i64: 8192, 128>}, {pipeline_mode = #tpu.pipeline_mode<synchronous>, transform_indices = @transform_1, window_bounds = array<i64: 2, 128>}, {transform_indices = @transform_2, window_bounds = array<i64: 8192, 128>}]} {
    %eq3A = arith.constant 0 : i32
    %eq3A_0 = arith.cmpi eq, %arg0, %eq3A : i32
    %convert_element_type3A = arith.extui %eq3A_0 : i1 to i32
    %cond3A = arith.constant 0 : i32
    %cond3A_1 = arith.cmpi ne, %convert_element_type3A, %cond3A : i32
    scf.if %cond3A_1 {
      %broadcast_in_dim3A_17 = arith.constant 0.000000e+00 : f32
      %broadcast_in_dim3A_18 = vector.broadcast %broadcast_in_dim3A_17 : f32 to vector<2x128xf32>
      %swap3A_19 = arith.constant 0 : index
      %swap3A_20 = arith.constant 0 : index
      %swap3A_21 = vector.load %arg2[%swap3A_19, %swap3A_20] : memref<2x128xf32, #tpu.memory_space<vmem>>, vector<2x128xf32>
      tpu.vector_store %arg2[%swap3A_19, %swap3A_20], %broadcast_in_dim3A_18 {strides = array<i32>} : memref<2x128xf32, #tpu.memory_space<vmem>>, vector<2x128xf32>,
    } else {
    }
    %get3A = arith.constant 0 : index
    %get3A_2 = arith.constant 0 : index
    %get3A_3 = vector.load %arg1[%get3A, %get3A_2] : memref<8192x128xf32, #tpu.memory_space<vmem>>, vector<8192x128xf32>
    %reduce_sum3A = arith.constant dense<0.000000e+00> : vector<128xf32>
    %reduce_sum3A_4 = vector.multi_reduction <add>, %get3A_3, %reduce_sum3A [0] : vector<8192x128xf32> to vector<128xf32>
    %broadcast_in_dim3A = vector.shape_cast %reduce_sum3A_4 : vector<128xf32> to vector<1x128xf32>
    %mul3A = arith.mulf %get3A_3, %get3A_3 : vector<8192x128xf32>
    %reduce_sum3A_5 = arith.constant dense<0.000000e+00> : vector<128xf32>
    %reduce_sum3A_6 = vector.multi_reduction <add>, %mul3A, %reduce_sum3A_5 [0] : vector<8192x128xf32> to vector<128xf32>
    %broadcast_in_dim3A_7 = vector.shape_cast %reduce_sum3A_6 : vector<128xf32> to vector<1x128xf32>
    %get3A_8 = arith.constant 0 : index
    %get3A_9 = arith.constant 0 : index
    %get3A_10 = vector.load %arg2[%get3A_8, %get3A_9] : memref<2x128xf32, #tpu.memory_space<vmem>>, vector<2x128xf32>
    %concatenate3A = tpu.concatenate %broadcast_in_dim3A, %broadcast_in_dim3A_7 in 0 : vector<1x128xf32>, vector<1x128xf32> -> vector<2x128xf32>
    %add3A = arith.addf %get3A_10, %concatenate3A : vector<2x128xf32>
    %swap3A = arith.constant 0 : index
    %swap3A_11 = arith.constant 0 : index
    %swap3A_12 = vector.load %arg2[%swap3A, %swap3A_11] : memref<2x128xf32, #tpu.memory_space<vmem>>, vector<2x128xf32>
    tpu.vector_store %arg2[%swap3A, %swap3A_11], %add3A {strides = array<i32>} : memref<2x128xf32, #tpu.memory_space<vmem>>, vector<2x128xf32>,
    %convert_element_type3A_13 = arith.truncf %get3A_3 : vector<8192x128xf32> to vector<8192x128xbf16>
    %swap3A_14 = arith.constant 0 : index
    %swap3A_15 = arith.constant 0 : index
    %swap3A_16 = vector.load %arg3[%swap3A_14, %swap3A_15] : memref<8192x128xbf16, #tpu.memory_space<vmem>>, vector<8192x128xbf16>
    tpu.vector_store %arg3[%swap3A_14, %swap3A_15], %convert_element_type3A_13 {strides = array<i32>} : memref<8192x128xbf16, #tpu.memory_space<vmem>>, vector<8192x128xbf16>,
    return
  }
  func.func @transform_0(%arg0: i32) -> (i32, i32) {
    %c0_i32 = arith.constant 0 : i32
    %c0_i32_0 = arith.constant 0 : i32
    return %arg0, %c0_i32 : i32, i32
  }
  func.func @transform_1(%arg0: i32) -> (i32, i32) {
    %c0_i32 = arith.constant 0 : i32
    %c0_i32_0 = arith.constant 0 : i32
    %c0_i32_1 = arith.constant 0 : i32
    return %c0_i32, %c0_i32_0 : i32, i32
  }
  func.func @transform_2(%arg0: i32) -> (i32, i32) {
    %c0_i32 = arith.constant 0 : i32
    %c0_i32_0 = arith.constant 0 : i32
    return %arg0, %c0_i32 : i32, i32
  }
}

module attributes {stable_mosaic.version = 14 : i64} {
  func.func @_rec_body(%arg0: i32, %arg1: memref<4x1024x128xbf16, #tpu.memory_space<vmem>>, %arg2: memref<4x1024x128xbf16, #tpu.memory_space<vmem>>, %arg3: memref<4x1024x1xf32, #tpu.memory_space<vmem>>, %arg4: memref<4x1024x1xf32, #tpu.memory_space<vmem>>, %arg5: memref<512x1024xbf16, #tpu.memory_space<vmem>>, %arg6: memref<512x1024xbf16, #tpu.memory_space<vmem>>, %arg7: memref<1x512xf32, #tpu.memory_space<vmem>>, %arg8: memref<1x512xf32, #tpu.memory_space<vmem>>, %arg9: memref<512x64xf32, #tpu.memory_space<vmem>>, %arg10: memref<1x64xf32, #tpu.memory_space<vmem>>, %arg11: memref<1024x64xf32, #tpu.memory_space<vmem>>, %arg12: memref<1024x512xbf16, #tpu.memory_space<vmem>>, %arg13: memref<1024x256xf32, #tpu.memory_space<vmem>>, %arg14: memref<1024x512xbf16, #tpu.memory_space<vmem>>, %arg15: memref<1024x256xf32, #tpu.memory_space<vmem>>) attributes {dimension_semantics = [#tpu.dimension_semantics<arbitrary>], iteration_bounds = array<i64: 50>, scalar_prefetch = 0 : i64, scratch_operands = 4 : i64, tpu.core_type = #tpu.core_type<tc>, window_params = [{transform_indices = @transform_0, window_bounds = array<i64: 4, 1024, 128>}, {transform_indices = @transform_1, window_bounds = array<i64: 4, 1024, 128>}, {transform_indices = @transform_2, window_bounds = array<i64: 4, 1024, 1>}, {transform_indices = @transform_3, window_bounds = array<i64: 4, 1024, 1>}, {pipeline_mode = #tpu.pipeline_mode<synchronous>, transform_indices = @transform_4, window_bounds = array<i64: 512, 1024>}, {pipeline_mode = #tpu.pipeline_mode<synchronous>, transform_indices = @transform_5, window_bounds = array<i64: 512, 1024>}, {pipeline_mode = #tpu.pipeline_mode<synchronous>, transform_indices = @transform_6, window_bounds = array<i64: 1, 512>}, {pipeline_mode = #tpu.pipeline_mode<synchronous>, transform_indices = @transform_7, window_bounds = array<i64: 1, 512>}, {pipeline_mode = #tpu.pipeline_mode<synchronous>, transform_indices = @transform_8, window_bounds = array<i64: 512, 64>}, {pipeline_mode = #tpu.pipeline_mode<synchronous>, transform_indices = @transform_9, window_bounds = array<i64: 1, 64>}, {pipeline_mode = #tpu.pipeline_mode<synchronous>, transform_indices = @transform_10, window_bounds = array<i64: 1024, 64>}]} {
    %eq3A = arith.constant 0 : i32
    %eq3A_0 = arith.cmpi eq, %arg0, %eq3A : i32
    %convert_element_type3A = arith.extui %eq3A_0 : i1 to i32
    %cond3A = arith.constant 0 : i32
    %cond3A_1 = arith.cmpi ne, %convert_element_type3A, %cond3A : i32
    scf.if %cond3A_1 {
      %broadcast_in_dim3A_589 = arith.constant 0.000000e+00 : bf16
      %broadcast_in_dim3A_590 = vector.broadcast %broadcast_in_dim3A_589 : bf16 to vector<1024x512xbf16>
      %swap3A_591 = arith.constant 0 : index
      %swap3A_592 = arith.constant 0 : index
      %swap3A_593 = vector.load %arg12[%swap3A_591, %swap3A_592] : memref<1024x512xbf16, #tpu.memory_space<vmem>>, vector<1024x512xbf16>
      tpu.vector_store %arg12[%swap3A_591, %swap3A_592], %broadcast_in_dim3A_590 {strides = array<i32>} : memref<1024x512xbf16, #tpu.memory_space<vmem>>, vector<1024x512xbf16>,
      %broadcast_in_dim3A_594 = arith.constant 0.000000e+00 : bf16
      %broadcast_in_dim3A_595 = vector.broadcast %broadcast_in_dim3A_594 : bf16 to vector<1024x512xbf16>
      %swap3A_596 = arith.constant 0 : index
      %swap3A_597 = arith.constant 0 : index
      %swap3A_598 = vector.load %arg14[%swap3A_596, %swap3A_597] : memref<1024x512xbf16, #tpu.memory_space<vmem>>, vector<1024x512xbf16>
      tpu.vector_store %arg14[%swap3A_596, %swap3A_597], %broadcast_in_dim3A_595 {strides = array<i32>} : memref<1024x512xbf16, #tpu.memory_space<vmem>>, vector<1024x512xbf16>,
      %broadcast_in_dim3A_599 = arith.constant 0.000000e+00 : f32
      %broadcast_in_dim3A_600 = vector.broadcast %broadcast_in_dim3A_599 : f32 to vector<1024x256xf32>
      %swap3A_601 = arith.constant 0 : index
      %swap3A_602 = arith.constant 0 : index
      %swap3A_603 = vector.load %arg13[%swap3A_601, %swap3A_602] : memref<1024x256xf32, #tpu.memory_space<vmem>>, vector<1024x256xf32>
      tpu.vector_store %arg13[%swap3A_601, %swap3A_602], %broadcast_in_dim3A_600 {strides = array<i32>} : memref<1024x256xf32, #tpu.memory_space<vmem>>, vector<1024x256xf32>,
      %broadcast_in_dim3A_604 = arith.constant 0.000000e+00 : f32
      %broadcast_in_dim3A_605 = vector.broadcast %broadcast_in_dim3A_604 : f32 to vector<1024x256xf32>
      %swap3A_606 = arith.constant 0 : index
      %swap3A_607 = arith.constant 0 : index
      %swap3A_608 = vector.load %arg15[%swap3A_606, %swap3A_607] : memref<1024x256xf32, #tpu.memory_space<vmem>>, vector<1024x256xf32>
      tpu.vector_store %arg15[%swap3A_606, %swap3A_607], %broadcast_in_dim3A_605 {strides = array<i32>} : memref<1024x256xf32, #tpu.memory_space<vmem>>, vector<1024x256xf32>,
      %iota3A = tpu.iota {dimensions = array<i32: 1>} : vector<1024x128xi32>
      %eq3A_609 = arith.constant 0 : i32
      %eq3A_610 = vector.broadcast %eq3A_609 : i32 to vector<1024x128xi32>
      %eq3A_611 = arith.cmpi eq, %iota3A, %eq3A_610 : vector<1024x128xi32>
      %jit3A = arith.constant 1.000000e+00 : f32
      %jit3A_612 = arith.constant 0.000000e+00 : f32
      %broadcast_in_dim3A_613 = vector.broadcast %jit3A : f32 to vector<1024x128xf32>
      %broadcast_in_dim3A_614 = vector.broadcast %jit3A_612 : f32 to vector<1024x128xf32>
      %select_n3A_615 = arith.select %eq3A_611, %broadcast_in_dim3A_613, %broadcast_in_dim3A_614 : vector<1024x128xi1>, vector<1024x128xf32>
      %convert_element_type3A_616 = arith.truncf %select_n3A_615 : vector<1024x128xf32> to vector<1024x128xbf16>
      %swap3A_617 = arith.constant 0 : index
      %swap3A_618 = arith.constant 384 : index
      %swap3A_619 = vector.load %arg12[%swap3A_617, %swap3A_618] : memref<1024x512xbf16, #tpu.memory_space<vmem>>, vector<1024x128xbf16>
      tpu.vector_store %arg12[%swap3A_617, %swap3A_618], %convert_element_type3A_616 {strides = array<i32>} : memref<1024x512xbf16, #tpu.memory_space<vmem>>, vector<1024x128xbf16>,
      %swap3A_620 = arith.constant 0 : index
      %swap3A_621 = arith.constant 384 : index
      %swap3A_622 = vector.load %arg14[%swap3A_620, %swap3A_621] : memref<1024x512xbf16, #tpu.memory_space<vmem>>, vector<1024x128xbf16>
      tpu.vector_store %arg14[%swap3A_620, %swap3A_621], %convert_element_type3A_616 {strides = array<i32>} : memref<1024x512xbf16, #tpu.memory_space<vmem>>, vector<1024x128xbf16>,
    } else {
    }
    %get3A = arith.constant 0 : index
    %get3A_2 = arith.constant 0 : index
    %get3A_3 = arith.constant 0 : index
    %get3A_4 = vector.load %arg1[%get3A, %get3A_2, %get3A_3] : memref<4x1024x128xbf16, #tpu.memory_space<vmem>>, vector<1x1024x128xbf16>
    %get3A_5 = vector.shape_cast %get3A_4 : vector<1x1024x128xbf16> to vector<1024x128xbf16>
    %get3A_6 = arith.constant 0 : index
    %get3A_7 = arith.constant 0 : index
    %get3A_8 = arith.constant 0 : index
    %get3A_9 = vector.load %arg3[%get3A_6, %get3A_7, %get3A_8] : memref<4x1024x1xf32, #tpu.memory_space<vmem>>, vector<1x1024x1xf32>
    %get3A_10 = vector.shape_cast %get3A_9 : vector<1x1024x1xf32> to vector<1024x1xf32>
    %swap3A = arith.constant 0 : index
    %swap3A_11 = arith.constant 0 : index
    %swap3A_12 = vector.load %arg12[%swap3A, %swap3A_11] : memref<1024x512xbf16, #tpu.memory_space<vmem>>, vector<1024x128xbf16>
    tpu.vector_store %arg12[%swap3A, %swap3A_11], %get3A_5 {strides = array<i32>} : memref<1024x512xbf16, #tpu.memory_space<vmem>>, vector<1024x128xbf16>,
    %get3A_13 = arith.constant 0 : index
    %get3A_14 = arith.constant 0 : index
    %get3A_15 = vector.load %arg12[%get3A_13, %get3A_14] : memref<1024x512xbf16, #tpu.memory_space<vmem>>, vector<1024x512xbf16>
    %get3A_16 = arith.constant 0 : index
    %get3A_17 = arith.constant 0 : index
    %get3A_18 = vector.load %arg5[%get3A_16, %get3A_17] : memref<512x1024xbf16, #tpu.memory_space<vmem>>, vector<512x1024xbf16>
    %dot_general3A = arith.constant dense<0.000000e+00> : vector<1024x1024xf32>
    %dot_general3A_19 = tpu.matmul %get3A_15, %get3A_18, %dot_general3A {dimension_numbers = #tpu.dot_dimension_numbers<[1], [0], [0], [1], [0, 0, 1, 1], [], []>, transpose_lhs_hint = false} : vector<1024x512xbf16>, vector<512x1024xbf16>, vector<1024x1024xf32> -> vector<1024x1024xf32>
    %get3A_20 = arith.constant 0 : index
    %get3A_21 = arith.constant 0 : index
    %get3A_22 = vector.load %arg13[%get3A_20, %get3A_21] : memref<1024x256xf32, #tpu.memory_space<vmem>>, vector<1024x256xf32>
    %slice3A = vector.extract_strided_slice %dot_general3A_19 {offsets = [0, 0], sizes = [1024, 256], strides = [1, 1]} : vector<1024x1024xf32> to vector<1024x256xf32>
    %tanh3A = math.tanh %slice3A : vector<1024x256xf32>
    %mul3A = arith.constant 5.000000e-01 : f32
    %mul3A_23 = vector.broadcast %mul3A : f32 to vector<1024x256xf32>
    %mul3A_24 = arith.mulf %tanh3A, %mul3A_23 : vector<1024x256xf32>
    %add3A = arith.constant 5.000000e-01 : f32
    %add3A_25 = vector.broadcast %add3A : f32 to vector<1024x256xf32>
    %add3A_26 = arith.addf %mul3A_24, %add3A_25 : vector<1024x256xf32>
    %slice3A_27 = vector.extract_strided_slice %dot_general3A_19 {offsets = [0, 256], sizes = [1024, 256], strides = [1, 1]} : vector<1024x1024xf32> to vector<1024x256xf32>
    %tanh3A_28 = math.tanh %slice3A_27 : vector<1024x256xf32>
    %mul3A_29 = arith.constant 5.000000e-01 : f32
    %mul3A_30 = vector.broadcast %mul3A_29 : f32 to vector<1024x256xf32>
    %mul3A_31 = arith.mulf %tanh3A_28, %mul3A_30 : vector<1024x256xf32>
    %add3A_32 = arith.constant 5.000000e-01 : f32
    %add3A_33 = vector.broadcast %add3A_32 : f32 to vector<1024x256xf32>
    %add3A_34 = arith.addf %mul3A_31, %add3A_33 : vector<1024x256xf32>
    %slice3A_35 = vector.extract_strided_slice %dot_general3A_19 {offsets = [0, 512], sizes = [1024, 256], strides = [1, 1]} : vector<1024x1024xf32> to vector<1024x256xf32>
    %tanh3A_36 = math.tanh %slice3A_35 : vector<1024x256xf32>
    %slice3A_37 = vector.extract_strided_slice %dot_general3A_19 {offsets = [0, 768], sizes = [1024, 256], strides = [1, 1]} : vector<1024x1024xf32> to vector<1024x256xf32>
    %tanh3A_38 = math.tanh %slice3A_37 : vector<1024x256xf32>
    %mul3A_39 = arith.constant 5.000000e-01 : f32
    %mul3A_40 = vector.broadcast %mul3A_39 : f32 to vector<1024x256xf32>
    %mul3A_41 = arith.mulf %tanh3A_38, %mul3A_40 : vector<1024x256xf32>
    %add3A_42 = arith.constant 5.000000e-01 : f32
    %add3A_43 = vector.broadcast %add3A_42 : f32 to vector<1024x256xf32>
    %add3A_44 = arith.addf %mul3A_41, %add3A_43 : vector<1024x256xf32>
    %mul3A_45 = arith.mulf %add3A_34, %get3A_22 : vector<1024x256xf32>
    %mul3A_46 = arith.mulf %add3A_26, %tanh3A_36 : vector<1024x256xf32>
    %add3A_47 = arith.addf %mul3A_45, %mul3A_46 : vector<1024x256xf32>
    %tanh3A_48 = math.tanh %add3A_47 : vector<1024x256xf32>
    %mul3A_49 = arith.mulf %add3A_44, %tanh3A_48 : vector<1024x256xf32>
    %ne3A = arith.constant 0.000000e+00 : f32
    %ne3A_50 = vector.broadcast %ne3A : f32 to vector<1024x1xf32>
    %ne3A_51 = arith.cmpf one, %get3A_10, %ne3A_50 : vector<1024x1xf32>
    %convert_element_type3A_52 = arith.truncf %mul3A_49 : vector<1024x256xf32> to vector<1024x256xbf16>
    %get3A_53 = arith.constant 0 : index
    %get3A_54 = arith.constant 128 : index
    %get3A_55 = vector.load %arg12[%get3A_53, %get3A_54] : memref<1024x512xbf16, #tpu.memory_space<vmem>>, vector<1024x256xbf16>
    %broadcast_in_dim3A = vector.shape_cast %ne3A_51 : vector<1024x1xi1> to vector<1024x1xi1>
    %broadcast_in_dim3A_56 = vector.broadcast %broadcast_in_dim3A : vector<1024x1xi1> to vector<1024x256xi1>
    %select_n3A = arith.select %broadcast_in_dim3A_56, %convert_element_type3A_52, %get3A_55 : vector<1024x256xi1>, vector<1024x256xbf16>
    %swap3A_57 = arith.constant 0 : index
    %swap3A_58 = arith.constant 128 : index
    %swap3A_59 = vector.load %arg12[%swap3A_57, %swap3A_58] : memref<1024x512xbf16, #tpu.memory_space<vmem>>, vector<1024x256xbf16>
    tpu.vector_store %arg12[%swap3A_57, %swap3A_58], %select_n3A {strides = array<i32>} : memref<1024x512xbf16, #tpu.memory_space<vmem>>, vector<1024x256xbf16>,
    %broadcast_in_dim3A_60 = vector.shape_cast %ne3A_51 : vector<1024x1xi1> to vector<1024x1xi1>
    %broadcast_in_dim3A_61 = vector.broadcast %broadcast_in_dim3A_60 : vector<1024x1xi1> to vector<1024x256xi1>
    %select_n3A_62 = arith.select %broadcast_in_dim3A_61, %add3A_47, %get3A_22 : vector<1024x256xi1>, vector<1024x256xf32>
    %swap3A_63 = arith.constant 0 : index
    %swap3A_64 = arith.constant 0 : index
    %swap3A_65 = vector.load %arg13[%swap3A_63, %swap3A_64] : memref<1024x256xf32, #tpu.memory_space<vmem>>, vector<1024x256xf32>
    tpu.vector_store %arg13[%swap3A_63, %swap3A_64], %select_n3A_62 {strides = array<i32>} : memref<1024x256xf32, #tpu.memory_space<vmem>>, vector<1024x256xf32>,
    %get3A_66 = arith.constant 3 : index
    %get3A_67 = arith.constant 0 : index
    %get3A_68 = arith.constant 0 : index
    %get3A_69 = vector.load %arg2[%get3A_66, %get3A_67, %get3A_68] : memref<4x1024x128xbf16, #tpu.memory_space<vmem>>, vector<1x1024x128xbf16>
    %get3A_70 = vector.shape_cast %get3A_69 : vector<1x1024x128xbf16> to vector<1024x128xbf16>
    %get3A_71 = arith.constant 3 : index
    %get3A_72 = arith.constant 0 : index
    %get3A_73 = arith.constant 0 : index
    %get3A_74 = vector.load %arg4[%get3A_71, %get3A_72, %get3A_73] : memref<4x1024x1xf32, #tpu.memory_space<vmem>>, vector<1x1024x1xf32>
    %get3A_75 = vector.shape_cast %get3A_74 : vector<1x1024x1xf32> to vector<1024x1xf32>
    %swap3A_76 = arith.constant 0 : index
    %swap3A_77 = arith.constant 0 : index
    %swap3A_78 = vector.load %arg14[%swap3A_76, %swap3A_77] : memref<1024x512xbf16, #tpu.memory_space<vmem>>, vector<1024x128xbf16>
    tpu.vector_store %arg14[%swap3A_76, %swap3A_77], %get3A_70 {strides = array<i32>} : memref<1024x512xbf16, #tpu.memory_space<vmem>>, vector<1024x128xbf16>,
    %get3A_79 = arith.constant 0 : index
    %get3A_80 = arith.constant 0 : index
    %get3A_81 = vector.load %arg14[%get3A_79, %get3A_80] : memref<1024x512xbf16, #tpu.memory_space<vmem>>, vector<1024x512xbf16>
    %get3A_82 = arith.constant 0 : index
    %get3A_83 = arith.constant 0 : index
    %get3A_84 = vector.load %arg6[%get3A_82, %get3A_83] : memref<512x1024xbf16, #tpu.memory_space<vmem>>, vector<512x1024xbf16>
    %dot_general3A_85 = arith.constant dense<0.000000e+00> : vector<1024x1024xf32>
    %dot_general3A_86 = tpu.matmul %get3A_81, %get3A_84, %dot_general3A_85 {dimension_numbers = #tpu.dot_dimension_numbers<[1], [0], [0], [1], [0, 0, 1, 1], [], []>, transpose_lhs_hint = false} : vector<1024x512xbf16>, vector<512x1024xbf16>, vector<1024x1024xf32> -> vector<1024x1024xf32>
    %get3A_87 = arith.constant 0 : index
    %get3A_88 = arith.constant 0 : index
    %get3A_89 = vector.load %arg15[%get3A_87, %get3A_88] : memref<1024x256xf32, #tpu.memory_space<vmem>>, vector<1024x256xf32>
    %slice3A_90 = vector.extract_strided_slice %dot_general3A_86 {offsets = [0, 0], sizes = [1024, 256], strides = [1, 1]} : vector<1024x1024xf32> to vector<1024x256xf32>
    %tanh3A_91 = math.tanh %slice3A_90 : vector<1024x256xf32>
    %mul3A_92 = arith.constant 5.000000e-01 : f32
    %mul3A_93 = vector.broadcast %mul3A_92 : f32 to vector<1024x256xf32>
    %mul3A_94 = arith.mulf %tanh3A_91, %mul3A_93 : vector<1024x256xf32>
    %add3A_95 = arith.constant 5.000000e-01 : f32
    %add3A_96 = vector.broadcast %add3A_95 : f32 to vector<1024x256xf32>
    %add3A_97 = arith.addf %mul3A_94, %add3A_96 : vector<1024x256xf32>
    %slice3A_98 = vector.extract_strided_slice %dot_general3A_86 {offsets = [0, 256], sizes = [1024, 256], strides = [1, 1]} : vector<1024x1024xf32> to vector<1024x256xf32>
    %tanh3A_99 = math.tanh %slice3A_98 : vector<1024x256xf32>
    %mul3A_100 = arith.constant 5.000000e-01 : f32
    %mul3A_101 = vector.broadcast %mul3A_100 : f32 to vector<1024x256xf32>
    %mul3A_102 = arith.mulf %tanh3A_99, %mul3A_101 : vector<1024x256xf32>
    %add3A_103 = arith.constant 5.000000e-01 : f32
    %add3A_104 = vector.broadcast %add3A_103 : f32 to vector<1024x256xf32>
    %add3A_105 = arith.addf %mul3A_102, %add3A_104 : vector<1024x256xf32>
    %slice3A_106 = vector.extract_strided_slice %dot_general3A_86 {offsets = [0, 512], sizes = [1024, 256], strides = [1, 1]} : vector<1024x1024xf32> to vector<1024x256xf32>
    %tanh3A_107 = math.tanh %slice3A_106 : vector<1024x256xf32>
    %slice3A_108 = vector.extract_strided_slice %dot_general3A_86 {offsets = [0, 768], sizes = [1024, 256], strides = [1, 1]} : vector<1024x1024xf32> to vector<1024x256xf32>
    %tanh3A_109 = math.tanh %slice3A_108 : vector<1024x256xf32>
    %mul3A_110 = arith.constant 5.000000e-01 : f32
    %mul3A_111 = vector.broadcast %mul3A_110 : f32 to vector<1024x256xf32>
    %mul3A_112 = arith.mulf %tanh3A_109, %mul3A_111 : vector<1024x256xf32>
    %add3A_113 = arith.constant 5.000000e-01 : f32
    %add3A_114 = vector.broadcast %add3A_113 : f32 to vector<1024x256xf32>
    %add3A_115 = arith.addf %mul3A_112, %add3A_114 : vector<1024x256xf32>
    %mul3A_116 = arith.mulf %add3A_105, %get3A_89 : vector<1024x256xf32>
    %mul3A_117 = arith.mulf %add3A_97, %tanh3A_107 : vector<1024x256xf32>
    %add3A_118 = arith.addf %mul3A_116, %mul3A_117 : vector<1024x256xf32>
    %tanh3A_119 = math.tanh %add3A_118 : vector<1024x256xf32>
    %mul3A_120 = arith.mulf %add3A_115, %tanh3A_119 : vector<1024x256xf32>
    %ne3A_121 = arith.constant 0.000000e+00 : f32
    %ne3A_122 = vector.broadcast %ne3A_121 : f32 to vector<1024x1xf32>
    %ne3A_123 = arith.cmpf one, %get3A_75, %ne3A_122 : vector<1024x1xf32>
    %convert_element_type3A_124 = arith.truncf %mul3A_120 : vector<1024x256xf32> to vector<1024x256xbf16>
    %get3A_125 = arith.constant 0 : index
    %get3A_126 = arith.constant 128 : index
    %get3A_127 = vector.load %arg14[%get3A_125, %get3A_126] : memref<1024x512xbf16, #tpu.memory_space<vmem>>, vector<1024x256xbf16>
    %broadcast_in_dim3A_128 = vector.shape_cast %ne3A_123 : vector<1024x1xi1> to vector<1024x1xi1>
    %broadcast_in_dim3A_129 = vector.broadcast %broadcast_in_dim3A_128 : vector<1024x1xi1> to vector<1024x256xi1>
    %select_n3A_130 = arith.select %broadcast_in_dim3A_129, %convert_element_type3A_124, %get3A_127 : vector<1024x256xi1>, vector<1024x256xbf16>
    %swap3A_131 = arith.constant 0 : index
    %swap3A_132 = arith.constant 128 : index
    %swap3A_133 = vector.load %arg14[%swap3A_131, %swap3A_132] : memref<1024x512xbf16, #tpu.memory_space<vmem>>, vector<1024x256xbf16>
    tpu.vector_store %arg14[%swap3A_131, %swap3A_132], %select_n3A_130 {strides = array<i32>} : memref<1024x512xbf16, #tpu.memory_space<vmem>>, vector<1024x256xbf16>,
    %broadcast_in_dim3A_134 = vector.shape_cast %ne3A_123 : vector<1024x1xi1> to vector<1024x1xi1>
    %broadcast_in_dim3A_135 = vector.broadcast %broadcast_in_dim3A_134 : vector<1024x1xi1> to vector<1024x256xi1>
    %select_n3A_136 = arith.select %broadcast_in_dim3A_135, %add3A_118, %get3A_89 : vector<1024x256xi1>, vector<1024x256xf32>
    %swap3A_137 = arith.constant 0 : index
    %swap3A_138 = arith.constant 0 : index
    %swap3A_139 = vector.load %arg15[%swap3A_137, %swap3A_138] : memref<1024x256xf32, #tpu.memory_space<vmem>>, vector<1024x256xf32>
    tpu.vector_store %arg15[%swap3A_137, %swap3A_138], %select_n3A_136 {strides = array<i32>} : memref<1024x256xf32, #tpu.memory_space<vmem>>, vector<1024x256xf32>,
    %get3A_140 = arith.constant 1 : index
    %get3A_141 = arith.constant 0 : index
    %get3A_142 = arith.constant 0 : index
    %get3A_143 = vector.load %arg1[%get3A_140, %get3A_141, %get3A_142] : memref<4x1024x128xbf16, #tpu.memory_space<vmem>>, vector<1x1024x128xbf16>
    %get3A_144 = vector.shape_cast %get3A_143 : vector<1x1024x128xbf16> to vector<1024x128xbf16>
    %get3A_145 = arith.constant 1 : index
    %get3A_146 = arith.constant 0 : index
    %get3A_147 = arith.constant 0 : index
    %get3A_148 = vector.load %arg3[%get3A_145, %get3A_146, %get3A_147] : memref<4x1024x1xf32, #tpu.memory_space<vmem>>, vector<1x1024x1xf32>
    %get3A_149 = vector.shape_cast %get3A_148 : vector<1x1024x1xf32> to vector<1024x1xf32>
    %swap3A_150 = arith.constant 0 : index
    %swap3A_151 = arith.constant 0 : index
    %swap3A_152 = vector.load %arg12[%swap3A_150, %swap3A_151] : memref<1024x512xbf16, #tpu.memory_space<vmem>>, vector<1024x128xbf16>
    tpu.vector_store %arg12[%swap3A_150, %swap3A_151], %get3A_144 {strides = array<i32>} : memref<1024x512xbf16, #tpu.memory_space<vmem>>, vector<1024x128xbf16>,
    %get3A_153 = arith.constant 0 : index
    %get3A_154 = arith.constant 0 : index
    %get3A_155 = vector.load %arg12[%get3A_153, %get3A_154] : memref<1024x512xbf16, #tpu.memory_space<vmem>>, vector<1024x512xbf16>
    %get3A_156 = arith.constant 0 : index
    %get3A_157 = arith.constant 0 : index
    %get3A_158 = vector.load %arg5[%get3A_156, %get3A_157] : memref<512x1024xbf16, #tpu.memory_space<vmem>>, vector<512x1024xbf16>
    %dot_general3A_159 = arith.constant dense<0.000000e+00> : vector<1024x1024xf32>
    %dot_general3A_160 = tpu.matmul %get3A_155, %get3A_158, %dot_general3A_159 {dimension_numbers = #tpu.dot_dimension_numbers<[1], [0], [0], [1], [0, 0, 1, 1], [], []>, transpose_lhs_hint = false} : vector<1024x512xbf16>, vector<512x1024xbf16>, vector<1024x1024xf32> -> vector<1024x1024xf32>
    %get3A_161 = arith.constant 0 : index
    %get3A_162 = arith.constant 0 : index
    %get3A_163 = vector.load %arg13[%get3A_161, %get3A_162] : memref<1024x256xf32, #tpu.memory_space<vmem>>, vector<1024x256xf32>
    %slice3A_164 = vector.extract_strided_slice %dot_general3A_160 {offsets = [0, 0], sizes = [1024, 256], strides = [1, 1]} : vector<1024x1024xf32> to vector<1024x256xf32>
    %tanh3A_165 = math.tanh %slice3A_164 : vector<1024x256xf32>
    %mul3A_166 = arith.constant 5.000000e-01 : f32
    %mul3A_167 = vector.broadcast %mul3A_166 : f32 to vector<1024x256xf32>
    %mul3A_168 = arith.mulf %tanh3A_165, %mul3A_167 : vector<1024x256xf32>
    %add3A_169 = arith.constant 5.000000e-01 : f32
    %add3A_170 = vector.broadcast %add3A_169 : f32 to vector<1024x256xf32>
    %add3A_171 = arith.addf %mul3A_168, %add3A_170 : vector<1024x256xf32>
    %slice3A_172 = vector.extract_strided_slice %dot_general3A_160 {offsets = [0, 256], sizes = [1024, 256], strides = [1, 1]} : vector<1024x1024xf32> to vector<1024x256xf32>
    %tanh3A_173 = math.tanh %slice3A_172 : vector<1024x256xf32>
    %mul3A_174 = arith.constant 5.000000e-01 : f32
    %mul3A_175 = vector.broadcast %mul3A_174 : f32 to vector<1024x256xf32>
    %mul3A_176 = arith.mulf %tanh3A_173, %mul3A_175 : vector<1024x256xf32>
    %add3A_177 = arith.constant 5.000000e-01 : f32
    %add3A_178 = vector.broadcast %add3A_177 : f32 to vector<1024x256xf32>
    %add3A_179 = arith.addf %mul3A_176, %add3A_178 : vector<1024x256xf32>
    %slice3A_180 = vector.extract_strided_slice %dot_general3A_160 {offsets = [0, 512], sizes = [1024, 256], strides = [1, 1]} : vector<1024x1024xf32> to vector<1024x256xf32>
    %tanh3A_181 = math.tanh %slice3A_180 : vector<1024x256xf32>
    %slice3A_182 = vector.extract_strided_slice %dot_general3A_160 {offsets = [0, 768], sizes = [1024, 256], strides = [1, 1]} : vector<1024x1024xf32> to vector<1024x256xf32>
    %tanh3A_183 = math.tanh %slice3A_182 : vector<1024x256xf32>
    %mul3A_184 = arith.constant 5.000000e-01 : f32
    %mul3A_185 = vector.broadcast %mul3A_184 : f32 to vector<1024x256xf32>
    %mul3A_186 = arith.mulf %tanh3A_183, %mul3A_185 : vector<1024x256xf32>
    %add3A_187 = arith.constant 5.000000e-01 : f32
    %add3A_188 = vector.broadcast %add3A_187 : f32 to vector<1024x256xf32>
    %add3A_189 = arith.addf %mul3A_186, %add3A_188 : vector<1024x256xf32>
    %mul3A_190 = arith.mulf %add3A_179, %get3A_163 : vector<1024x256xf32>
    %mul3A_191 = arith.mulf %add3A_171, %tanh3A_181 : vector<1024x256xf32>
    %add3A_192 = arith.addf %mul3A_190, %mul3A_191 : vector<1024x256xf32>
    %tanh3A_193 = math.tanh %add3A_192 : vector<1024x256xf32>
    %mul3A_194 = arith.mulf %add3A_189, %tanh3A_193 : vector<1024x256xf32>
    %ne3A_195 = arith.constant 0.000000e+00 : f32
    %ne3A_196 = vector.broadcast %ne3A_195 : f32 to vector<1024x1xf32>
    %ne3A_197 = arith.cmpf one, %get3A_149, %ne3A_196 : vector<1024x1xf32>
    %convert_element_type3A_198 = arith.truncf %mul3A_194 : vector<1024x256xf32> to vector<1024x256xbf16>
    %get3A_199 = arith.constant 0 : index
    %get3A_200 = arith.constant 128 : index
    %get3A_201 = vector.load %arg12[%get3A_199, %get3A_200] : memref<1024x512xbf16, #tpu.memory_space<vmem>>, vector<1024x256xbf16>
    %broadcast_in_dim3A_202 = vector.shape_cast %ne3A_197 : vector<1024x1xi1> to vector<1024x1xi1>
    %broadcast_in_dim3A_203 = vector.broadcast %broadcast_in_dim3A_202 : vector<1024x1xi1> to vector<1024x256xi1>
    %select_n3A_204 = arith.select %broadcast_in_dim3A_203, %convert_element_type3A_198, %get3A_201 : vector<1024x256xi1>, vector<1024x256xbf16>
    %swap3A_205 = arith.constant 0 : index
    %swap3A_206 = arith.constant 128 : index
    %swap3A_207 = vector.load %arg12[%swap3A_205, %swap3A_206] : memref<1024x512xbf16, #tpu.memory_space<vmem>>, vector<1024x256xbf16>
    tpu.vector_store %arg12[%swap3A_205, %swap3A_206], %select_n3A_204 {strides = array<i32>} : memref<1024x512xbf16, #tpu.memory_space<vmem>>, vector<1024x256xbf16>,
    %broadcast_in_dim3A_208 = vector.shape_cast %ne3A_197 : vector<1024x1xi1> to vector<1024x1xi1>
    %broadcast_in_dim3A_209 = vector.broadcast %broadcast_in_dim3A_208 : vector<1024x1xi1> to vector<1024x256xi1>
    %select_n3A_210 = arith.select %broadcast_in_dim3A_209, %add3A_192, %get3A_163 : vector<1024x256xi1>, vector<1024x256xf32>
    %swap3A_211 = arith.constant 0 : index
    %swap3A_212 = arith.constant 0 : index
    %swap3A_213 = vector.load %arg13[%swap3A_211, %swap3A_212] : memref<1024x256xf32, #tpu.memory_space<vmem>>, vector<1024x256xf32>
    tpu.vector_store %arg13[%swap3A_211, %swap3A_212], %select_n3A_210 {strides = array<i32>} : memref<1024x256xf32, #tpu.memory_space<vmem>>, vector<1024x256xf32>,
    %get3A_214 = arith.constant 2 : index
    %get3A_215 = arith.constant 0 : index
    %get3A_216 = arith.constant 0 : index
    %get3A_217 = vector.load %arg2[%get3A_214, %get3A_215, %get3A_216] : memref<4x1024x128xbf16, #tpu.memory_space<vmem>>, vector<1x1024x128xbf16>
    %get3A_218 = vector.shape_cast %get3A_217 : vector<1x1024x128xbf16> to vector<1024x128xbf16>
    %get3A_219 = arith.constant 2 : index
    %get3A_220 = arith.constant 0 : index
    %get3A_221 = arith.constant 0 : index
    %get3A_222 = vector.load %arg4[%get3A_219, %get3A_220, %get3A_221] : memref<4x1024x1xf32, #tpu.memory_space<vmem>>, vector<1x1024x1xf32>
    %get3A_223 = vector.shape_cast %get3A_222 : vector<1x1024x1xf32> to vector<1024x1xf32>
    %swap3A_224 = arith.constant 0 : index
    %swap3A_225 = arith.constant 0 : index
    %swap3A_226 = vector.load %arg14[%swap3A_224, %swap3A_225] : memref<1024x512xbf16, #tpu.memory_space<vmem>>, vector<1024x128xbf16>
    tpu.vector_store %arg14[%swap3A_224, %swap3A_225], %get3A_218 {strides = array<i32>} : memref<1024x512xbf16, #tpu.memory_space<vmem>>, vector<1024x128xbf16>,
    %get3A_227 = arith.constant 0 : index
    %get3A_228 = arith.constant 0 : index
    %get3A_229 = vector.load %arg14[%get3A_227, %get3A_228] : memref<1024x512xbf16, #tpu.memory_space<vmem>>, vector<1024x512xbf16>
    %get3A_230 = arith.constant 0 : index
    %get3A_231 = arith.constant 0 : index
    %get3A_232 = vector.load %arg6[%get3A_230, %get3A_231] : memref<512x1024xbf16, #tpu.memory_space<vmem>>, vector<512x1024xbf16>
    %dot_general3A_233 = arith.constant dense<0.000000e+00> : vector<1024x1024xf32>
    %dot_general3A_234 = tpu.matmul %get3A_229, %get3A_232, %dot_general3A_233 {dimension_numbers = #tpu.dot_dimension_numbers<[1], [0], [0], [1], [0, 0, 1, 1], [], []>, transpose_lhs_hint = false} : vector<1024x512xbf16>, vector<512x1024xbf16>, vector<1024x1024xf32> -> vector<1024x1024xf32>
    %get3A_235 = arith.constant 0 : index
    %get3A_236 = arith.constant 0 : index
    %get3A_237 = vector.load %arg15[%get3A_235, %get3A_236] : memref<1024x256xf32, #tpu.memory_space<vmem>>, vector<1024x256xf32>
    %slice3A_238 = vector.extract_strided_slice %dot_general3A_234 {offsets = [0, 0], sizes = [1024, 256], strides = [1, 1]} : vector<1024x1024xf32> to vector<1024x256xf32>
    %tanh3A_239 = math.tanh %slice3A_238 : vector<1024x256xf32>
    %mul3A_240 = arith.constant 5.000000e-01 : f32
    %mul3A_241 = vector.broadcast %mul3A_240 : f32 to vector<1024x256xf32>
    %mul3A_242 = arith.mulf %tanh3A_239, %mul3A_241 : vector<1024x256xf32>
    %add3A_243 = arith.constant 5.000000e-01 : f32
    %add3A_244 = vector.broadcast %add3A_243 : f32 to vector<1024x256xf32>
    %add3A_245 = arith.addf %mul3A_242, %add3A_244 : vector<1024x256xf32>
    %slice3A_246 = vector.extract_strided_slice %dot_general3A_234 {offsets = [0, 256], sizes = [1024, 256], strides = [1, 1]} : vector<1024x1024xf32> to vector<1024x256xf32>
    %tanh3A_247 = math.tanh %slice3A_246 : vector<1024x256xf32>
    %mul3A_248 = arith.constant 5.000000e-01 : f32
    %mul3A_249 = vector.broadcast %mul3A_248 : f32 to vector<1024x256xf32>
    %mul3A_250 = arith.mulf %tanh3A_247, %mul3A_249 : vector<1024x256xf32>
    %add3A_251 = arith.constant 5.000000e-01 : f32
    %add3A_252 = vector.broadcast %add3A_251 : f32 to vector<1024x256xf32>
    %add3A_253 = arith.addf %mul3A_250, %add3A_252 : vector<1024x256xf32>
    %slice3A_254 = vector.extract_strided_slice %dot_general3A_234 {offsets = [0, 512], sizes = [1024, 256], strides = [1, 1]} : vector<1024x1024xf32> to vector<1024x256xf32>
    %tanh3A_255 = math.tanh %slice3A_254 : vector<1024x256xf32>
    %slice3A_256 = vector.extract_strided_slice %dot_general3A_234 {offsets = [0, 768], sizes = [1024, 256], strides = [1, 1]} : vector<1024x1024xf32> to vector<1024x256xf32>
    %tanh3A_257 = math.tanh %slice3A_256 : vector<1024x256xf32>
    %mul3A_258 = arith.constant 5.000000e-01 : f32
    %mul3A_259 = vector.broadcast %mul3A_258 : f32 to vector<1024x256xf32>
    %mul3A_260 = arith.mulf %tanh3A_257, %mul3A_259 : vector<1024x256xf32>
    %add3A_261 = arith.constant 5.000000e-01 : f32
    %add3A_262 = vector.broadcast %add3A_261 : f32 to vector<1024x256xf32>
    %add3A_263 = arith.addf %mul3A_260, %add3A_262 : vector<1024x256xf32>
    %mul3A_264 = arith.mulf %add3A_253, %get3A_237 : vector<1024x256xf32>
    %mul3A_265 = arith.mulf %add3A_245, %tanh3A_255 : vector<1024x256xf32>
    %add3A_266 = arith.addf %mul3A_264, %mul3A_265 : vector<1024x256xf32>
    %tanh3A_267 = math.tanh %add3A_266 : vector<1024x256xf32>
    %mul3A_268 = arith.mulf %add3A_263, %tanh3A_267 : vector<1024x256xf32>
    %ne3A_269 = arith.constant 0.000000e+00 : f32
    %ne3A_270 = vector.broadcast %ne3A_269 : f32 to vector<1024x1xf32>
    %ne3A_271 = arith.cmpf one, %get3A_223, %ne3A_270 : vector<1024x1xf32>
    %convert_element_type3A_272 = arith.truncf %mul3A_268 : vector<1024x256xf32> to vector<1024x256xbf16>
    %get3A_273 = arith.constant 0 : index
    %get3A_274 = arith.constant 128 : index
    %get3A_275 = vector.load %arg14[%get3A_273, %get3A_274] : memref<1024x512xbf16, #tpu.memory_space<vmem>>, vector<1024x256xbf16>
    %broadcast_in_dim3A_276 = vector.shape_cast %ne3A_271 : vector<1024x1xi1> to vector<1024x1xi1>
    %broadcast_in_dim3A_277 = vector.broadcast %broadcast_in_dim3A_276 : vector<1024x1xi1> to vector<1024x256xi1>
    %select_n3A_278 = arith.select %broadcast_in_dim3A_277, %convert_element_type3A_272, %get3A_275 : vector<1024x256xi1>, vector<1024x256xbf16>
    %swap3A_279 = arith.constant 0 : index
    %swap3A_280 = arith.constant 128 : index
    %swap3A_281 = vector.load %arg14[%swap3A_279, %swap3A_280] : memref<1024x512xbf16, #tpu.memory_space<vmem>>, vector<1024x256xbf16>
    tpu.vector_store %arg14[%swap3A_279, %swap3A_280], %select_n3A_278 {strides = array<i32>} : memref<1024x512xbf16, #tpu.memory_space<vmem>>, vector<1024x256xbf16>,
    %broadcast_in_dim3A_282 = vector.shape_cast %ne3A_271 : vector<1024x1xi1> to vector<1024x1xi1>
    %broadcast_in_dim3A_283 = vector.broadcast %broadcast_in_dim3A_282 : vector<1024x1xi1> to vector<1024x256xi1>
    %select_n3A_284 = arith.select %broadcast_in_dim3A_283, %add3A_266, %get3A_237 : vector<1024x256xi1>, vector<1024x256xf32>
    %swap3A_285 = arith.constant 0 : index
    %swap3A_286 = arith.constant 0 : index
    %swap3A_287 = vector.load %arg15[%swap3A_285, %swap3A_286] : memref<1024x256xf32, #tpu.memory_space<vmem>>, vector<1024x256xf32>
    tpu.vector_store %arg15[%swap3A_285, %swap3A_286], %select_n3A_284 {strides = array<i32>} : memref<1024x256xf32, #tpu.memory_space<vmem>>, vector<1024x256xf32>,
    %get3A_288 = arith.constant 2 : index
    %get3A_289 = arith.constant 0 : index
    %get3A_290 = arith.constant 0 : index
    %get3A_291 = vector.load %arg1[%get3A_288, %get3A_289, %get3A_290] : memref<4x1024x128xbf16, #tpu.memory_space<vmem>>, vector<1x1024x128xbf16>
    %get3A_292 = vector.shape_cast %get3A_291 : vector<1x1024x128xbf16> to vector<1024x128xbf16>
    %get3A_293 = arith.constant 2 : index
    %get3A_294 = arith.constant 0 : index
    %get3A_295 = arith.constant 0 : index
    %get3A_296 = vector.load %arg3[%get3A_293, %get3A_294, %get3A_295] : memref<4x1024x1xf32, #tpu.memory_space<vmem>>, vector<1x1024x1xf32>
    %get3A_297 = vector.shape_cast %get3A_296 : vector<1x1024x1xf32> to vector<1024x1xf32>
    %swap3A_298 = arith.constant 0 : index
    %swap3A_299 = arith.constant 0 : index
    %swap3A_300 = vector.load %arg12[%swap3A_298, %swap3A_299] : memref<1024x512xbf16, #tpu.memory_space<vmem>>, vector<1024x128xbf16>
    tpu.vector_store %arg12[%swap3A_298, %swap3A_299], %get3A_292 {strides = array<i32>} : memref<1024x512xbf16, #tpu.memory_space<vmem>>, vector<1024x128xbf16>,
    %get3A_301 = arith.constant 0 : index
    %get3A_302 = arith.constant 0 : index
    %get3A_303 = vector.load %arg12[%get3A_301, %get3A_302] : memref<1024x512xbf16, #tpu.memory_space<vmem>>, vector<1024x512xbf16>
    %get3A_304 = arith.constant 0 : index
    %get3A_305 = arith.constant 0 : index
    %get3A_306 = vector.load %arg5[%get3A_304, %get3A_305] : memref<512x1024xbf16, #tpu.memory_space<vmem>>, vector<512x1024xbf16>
    %dot_general3A_307 = arith.constant dense<0.000000e+00> : vector<1024x1024xf32>
    %dot_general3A_308 = tpu.matmul %get3A_303, %get3A_306, %dot_general3A_307 {dimension_numbers = #tpu.dot_dimension_numbers<[1], [0], [0], [1], [0, 0, 1, 1], [], []>, transpose_lhs_hint = false} : vector<1024x512xbf16>, vector<512x1024xbf16>, vector<1024x1024xf32> -> vector<1024x1024xf32>
    %get3A_309 = arith.constant 0 : index
    %get3A_310 = arith.constant 0 : index
    %get3A_311 = vector.load %arg13[%get3A_309, %get3A_310] : memref<1024x256xf32, #tpu.memory_space<vmem>>, vector<1024x256xf32>
    %slice3A_312 = vector.extract_strided_slice %dot_general3A_308 {offsets = [0, 0], sizes = [1024, 256], strides = [1, 1]} : vector<1024x1024xf32> to vector<1024x256xf32>
    %tanh3A_313 = math.tanh %slice3A_312 : vector<1024x256xf32>
    %mul3A_314 = arith.constant 5.000000e-01 : f32
    %mul3A_315 = vector.broadcast %mul3A_314 : f32 to vector<1024x256xf32>
    %mul3A_316 = arith.mulf %tanh3A_313, %mul3A_315 : vector<1024x256xf32>
    %add3A_317 = arith.constant 5.000000e-01 : f32
    %add3A_318 = vector.broadcast %add3A_317 : f32 to vector<1024x256xf32>
    %add3A_319 = arith.addf %mul3A_316, %add3A_318 : vector<1024x256xf32>
    %slice3A_320 = vector.extract_strided_slice %dot_general3A_308 {offsets = [0, 256], sizes = [1024, 256], strides = [1, 1]} : vector<1024x1024xf32> to vector<1024x256xf32>
    %tanh3A_321 = math.tanh %slice3A_320 : vector<1024x256xf32>
    %mul3A_322 = arith.constant 5.000000e-01 : f32
    %mul3A_323 = vector.broadcast %mul3A_322 : f32 to vector<1024x256xf32>
    %mul3A_324 = arith.mulf %tanh3A_321, %mul3A_323 : vector<1024x256xf32>
    %add3A_325 = arith.constant 5.000000e-01 : f32
    %add3A_326 = vector.broadcast %add3A_325 : f32 to vector<1024x256xf32>
    %add3A_327 = arith.addf %mul3A_324, %add3A_326 : vector<1024x256xf32>
    %slice3A_328 = vector.extract_strided_slice %dot_general3A_308 {offsets = [0, 512], sizes = [1024, 256], strides = [1, 1]} : vector<1024x1024xf32> to vector<1024x256xf32>
    %tanh3A_329 = math.tanh %slice3A_328 : vector<1024x256xf32>
    %slice3A_330 = vector.extract_strided_slice %dot_general3A_308 {offsets = [0, 768], sizes = [1024, 256], strides = [1, 1]} : vector<1024x1024xf32> to vector<1024x256xf32>
    %tanh3A_331 = math.tanh %slice3A_330 : vector<1024x256xf32>
    %mul3A_332 = arith.constant 5.000000e-01 : f32
    %mul3A_333 = vector.broadcast %mul3A_332 : f32 to vector<1024x256xf32>
    %mul3A_334 = arith.mulf %tanh3A_331, %mul3A_333 : vector<1024x256xf32>
    %add3A_335 = arith.constant 5.000000e-01 : f32
    %add3A_336 = vector.broadcast %add3A_335 : f32 to vector<1024x256xf32>
    %add3A_337 = arith.addf %mul3A_334, %add3A_336 : vector<1024x256xf32>
    %mul3A_338 = arith.mulf %add3A_327, %get3A_311 : vector<1024x256xf32>
    %mul3A_339 = arith.mulf %add3A_319, %tanh3A_329 : vector<1024x256xf32>
    %add3A_340 = arith.addf %mul3A_338, %mul3A_339 : vector<1024x256xf32>
    %tanh3A_341 = math.tanh %add3A_340 : vector<1024x256xf32>
    %mul3A_342 = arith.mulf %add3A_337, %tanh3A_341 : vector<1024x256xf32>
    %ne3A_343 = arith.constant 0.000000e+00 : f32
    %ne3A_344 = vector.broadcast %ne3A_343 : f32 to vector<1024x1xf32>
    %ne3A_345 = arith.cmpf one, %get3A_297, %ne3A_344 : vector<1024x1xf32>
    %convert_element_type3A_346 = arith.truncf %mul3A_342 : vector<1024x256xf32> to vector<1024x256xbf16>
    %get3A_347 = arith.constant 0 : index
    %get3A_348 = arith.constant 128 : index
    %get3A_349 = vector.load %arg12[%get3A_347, %get3A_348] : memref<1024x512xbf16, #tpu.memory_space<vmem>>, vector<1024x256xbf16>
    %broadcast_in_dim3A_350 = vector.shape_cast %ne3A_345 : vector<1024x1xi1> to vector<1024x1xi1>
    %broadcast_in_dim3A_351 = vector.broadcast %broadcast_in_dim3A_350 : vector<1024x1xi1> to vector<1024x256xi1>
    %select_n3A_352 = arith.select %broadcast_in_dim3A_351, %convert_element_type3A_346, %get3A_349 : vector<1024x256xi1>, vector<1024x256xbf16>
    %swap3A_353 = arith.constant 0 : index
    %swap3A_354 = arith.constant 128 : index
    %swap3A_355 = vector.load %arg12[%swap3A_353, %swap3A_354] : memref<1024x512xbf16, #tpu.memory_space<vmem>>, vector<1024x256xbf16>
    tpu.vector_store %arg12[%swap3A_353, %swap3A_354], %select_n3A_352 {strides = array<i32>} : memref<1024x512xbf16, #tpu.memory_space<vmem>>, vector<1024x256xbf16>,
    %broadcast_in_dim3A_356 = vector.shape_cast %ne3A_345 : vector<1024x1xi1> to vector<1024x1xi1>
    %broadcast_in_dim3A_357 = vector.broadcast %broadcast_in_dim3A_356 : vector<1024x1xi1> to vector<1024x256xi1>
    %select_n3A_358 = arith.select %broadcast_in_dim3A_357, %add3A_340, %get3A_311 : vector<1024x256xi1>, vector<1024x256xf32>
    %swap3A_359 = arith.constant 0 : index
    %swap3A_360 = arith.constant 0 : index
    %swap3A_361 = vector.load %arg13[%swap3A_359, %swap3A_360] : memref<1024x256xf32, #tpu.memory_space<vmem>>, vector<1024x256xf32>
    tpu.vector_store %arg13[%swap3A_359, %swap3A_360], %select_n3A_358 {strides = array<i32>} : memref<1024x256xf32, #tpu.memory_space<vmem>>, vector<1024x256xf32>,
    %get3A_362 = arith.constant 1 : index
    %get3A_363 = arith.constant 0 : index
    %get3A_364 = arith.constant 0 : index
    %get3A_365 = vector.load %arg2[%get3A_362, %get3A_363, %get3A_364] : memref<4x1024x128xbf16, #tpu.memory_space<vmem>>, vector<1x1024x128xbf16>
    %get3A_366 = vector.shape_cast %get3A_365 : vector<1x1024x128xbf16> to vector<1024x128xbf16>
    %get3A_367 = arith.constant 1 : index
    %get3A_368 = arith.constant 0 : index
    %get3A_369 = arith.constant 0 : index
    %get3A_370 = vector.load %arg4[%get3A_367, %get3A_368, %get3A_369] : memref<4x1024x1xf32, #tpu.memory_space<vmem>>, vector<1x1024x1xf32>
    %get3A_371 = vector.shape_cast %get3A_370 : vector<1x1024x1xf32> to vector<1024x1xf32>
    %swap3A_372 = arith.constant 0 : index
    %swap3A_373 = arith.constant 0 : index
    %swap3A_374 = vector.load %arg14[%swap3A_372, %swap3A_373] : memref<1024x512xbf16, #tpu.memory_space<vmem>>, vector<1024x128xbf16>
    tpu.vector_store %arg14[%swap3A_372, %swap3A_373], %get3A_366 {strides = array<i32>} : memref<1024x512xbf16, #tpu.memory_space<vmem>>, vector<1024x128xbf16>,
    %get3A_375 = arith.constant 0 : index
    %get3A_376 = arith.constant 0 : index
    %get3A_377 = vector.load %arg14[%get3A_375, %get3A_376] : memref<1024x512xbf16, #tpu.memory_space<vmem>>, vector<1024x512xbf16>
    %get3A_378 = arith.constant 0 : index
    %get3A_379 = arith.constant 0 : index
    %get3A_380 = vector.load %arg6[%get3A_378, %get3A_379] : memref<512x1024xbf16, #tpu.memory_space<vmem>>, vector<512x1024xbf16>
    %dot_general3A_381 = arith.constant dense<0.000000e+00> : vector<1024x1024xf32>
    %dot_general3A_382 = tpu.matmul %get3A_377, %get3A_380, %dot_general3A_381 {dimension_numbers = #tpu.dot_dimension_numbers<[1], [0], [0], [1], [0, 0, 1, 1], [], []>, transpose_lhs_hint = false} : vector<1024x512xbf16>, vector<512x1024xbf16>, vector<1024x1024xf32> -> vector<1024x1024xf32>
    %get3A_383 = arith.constant 0 : index
    %get3A_384 = arith.constant 0 : index
    %get3A_385 = vector.load %arg15[%get3A_383, %get3A_384] : memref<1024x256xf32, #tpu.memory_space<vmem>>, vector<1024x256xf32>
    %slice3A_386 = vector.extract_strided_slice %dot_general3A_382 {offsets = [0, 0], sizes = [1024, 256], strides = [1, 1]} : vector<1024x1024xf32> to vector<1024x256xf32>
    %tanh3A_387 = math.tanh %slice3A_386 : vector<1024x256xf32>
    %mul3A_388 = arith.constant 5.000000e-01 : f32
    %mul3A_389 = vector.broadcast %mul3A_388 : f32 to vector<1024x256xf32>
    %mul3A_390 = arith.mulf %tanh3A_387, %mul3A_389 : vector<1024x256xf32>
    %add3A_391 = arith.constant 5.000000e-01 : f32
    %add3A_392 = vector.broadcast %add3A_391 : f32 to vector<1024x256xf32>
    %add3A_393 = arith.addf %mul3A_390, %add3A_392 : vector<1024x256xf32>
    %slice3A_394 = vector.extract_strided_slice %dot_general3A_382 {offsets = [0, 256], sizes = [1024, 256], strides = [1, 1]} : vector<1024x1024xf32> to vector<1024x256xf32>
    %tanh3A_395 = math.tanh %slice3A_394 : vector<1024x256xf32>
    %mul3A_396 = arith.constant 5.000000e-01 : f32
    %mul3A_397 = vector.broadcast %mul3A_396 : f32 to vector<1024x256xf32>
    %mul3A_398 = arith.mulf %tanh3A_395, %mul3A_397 : vector<1024x256xf32>
    %add3A_399 = arith.constant 5.000000e-01 : f32
    %add3A_400 = vector.broadcast %add3A_399 : f32 to vector<1024x256xf32>
    %add3A_401 = arith.addf %mul3A_398, %add3A_400 : vector<1024x256xf32>
    %slice3A_402 = vector.extract_strided_slice %dot_general3A_382 {offsets = [0, 512], sizes = [1024, 256], strides = [1, 1]} : vector<1024x1024xf32> to vector<1024x256xf32>
    %tanh3A_403 = math.tanh %slice3A_402 : vector<1024x256xf32>
    %slice3A_404 = vector.extract_strided_slice %dot_general3A_382 {offsets = [0, 768], sizes = [1024, 256], strides = [1, 1]} : vector<1024x1024xf32> to vector<1024x256xf32>
    %tanh3A_405 = math.tanh %slice3A_404 : vector<1024x256xf32>
    %mul3A_406 = arith.constant 5.000000e-01 : f32
    %mul3A_407 = vector.broadcast %mul3A_406 : f32 to vector<1024x256xf32>
    %mul3A_408 = arith.mulf %tanh3A_405, %mul3A_407 : vector<1024x256xf32>
    %add3A_409 = arith.constant 5.000000e-01 : f32
    %add3A_410 = vector.broadcast %add3A_409 : f32 to vector<1024x256xf32>
    %add3A_411 = arith.addf %mul3A_408, %add3A_410 : vector<1024x256xf32>
    %mul3A_412 = arith.mulf %add3A_401, %get3A_385 : vector<1024x256xf32>
    %mul3A_413 = arith.mulf %add3A_393, %tanh3A_403 : vector<1024x256xf32>
    %add3A_414 = arith.addf %mul3A_412, %mul3A_413 : vector<1024x256xf32>
    %tanh3A_415 = math.tanh %add3A_414 : vector<1024x256xf32>
    %mul3A_416 = arith.mulf %add3A_411, %tanh3A_415 : vector<1024x256xf32>
    %ne3A_417 = arith.constant 0.000000e+00 : f32
    %ne3A_418 = vector.broadcast %ne3A_417 : f32 to vector<1024x1xf32>
    %ne3A_419 = arith.cmpf one, %get3A_371, %ne3A_418 : vector<1024x1xf32>
    %convert_element_type3A_420 = arith.truncf %mul3A_416 : vector<1024x256xf32> to vector<1024x256xbf16>
    %get3A_421 = arith.constant 0 : index
    %get3A_422 = arith.constant 128 : index
    %get3A_423 = vector.load %arg14[%get3A_421, %get3A_422] : memref<1024x512xbf16, #tpu.memory_space<vmem>>, vector<1024x256xbf16>
    %broadcast_in_dim3A_424 = vector.shape_cast %ne3A_419 : vector<1024x1xi1> to vector<1024x1xi1>
    %broadcast_in_dim3A_425 = vector.broadcast %broadcast_in_dim3A_424 : vector<1024x1xi1> to vector<1024x256xi1>
    %select_n3A_426 = arith.select %broadcast_in_dim3A_425, %convert_element_type3A_420, %get3A_423 : vector<1024x256xi1>, vector<1024x256xbf16>
    %swap3A_427 = arith.constant 0 : index
    %swap3A_428 = arith.constant 128 : index
    %swap3A_429 = vector.load %arg14[%swap3A_427, %swap3A_428] : memref<1024x512xbf16, #tpu.memory_space<vmem>>, vector<1024x256xbf16>
    tpu.vector_store %arg14[%swap3A_427, %swap3A_428], %select_n3A_426 {strides = array<i32>} : memref<1024x512xbf16, #tpu.memory_space<vmem>>, vector<1024x256xbf16>,
    %broadcast_in_dim3A_430 = vector.shape_cast %ne3A_419 : vector<1024x1xi1> to vector<1024x1xi1>
    %broadcast_in_dim3A_431 = vector.broadcast %broadcast_in_dim3A_430 : vector<1024x1xi1> to vector<1024x256xi1>
    %select_n3A_432 = arith.select %broadcast_in_dim3A_431, %add3A_414, %get3A_385 : vector<1024x256xi1>, vector<1024x256xf32>
    %swap3A_433 = arith.constant 0 : index
    %swap3A_434 = arith.constant 0 : index
    %swap3A_435 = vector.load %arg15[%swap3A_433, %swap3A_434] : memref<1024x256xf32, #tpu.memory_space<vmem>>, vector<1024x256xf32>
    tpu.vector_store %arg15[%swap3A_433, %swap3A_434], %select_n3A_432 {strides = array<i32>} : memref<1024x256xf32, #tpu.memory_space<vmem>>, vector<1024x256xf32>,
    %get3A_436 = arith.constant 3 : index
    %get3A_437 = arith.constant 0 : index
    %get3A_438 = arith.constant 0 : index
    %get3A_439 = vector.load %arg1[%get3A_436, %get3A_437, %get3A_438] : memref<4x1024x128xbf16, #tpu.memory_space<vmem>>, vector<1x1024x128xbf16>
    %get3A_440 = vector.shape_cast %get3A_439 : vector<1x1024x128xbf16> to vector<1024x128xbf16>
    %get3A_441 = arith.constant 3 : index
    %get3A_442 = arith.constant 0 : index
    %get3A_443 = arith.constant 0 : index
    %get3A_444 = vector.load %arg3[%get3A_441, %get3A_442, %get3A_443] : memref<4x1024x1xf32, #tpu.memory_space<vmem>>, vector<1x1024x1xf32>
    %get3A_445 = vector.shape_cast %get3A_444 : vector<1x1024x1xf32> to vector<1024x1xf32>
    %swap3A_446 = arith.constant 0 : index
    %swap3A_447 = arith.constant 0 : index
    %swap3A_448 = vector.load %arg12[%swap3A_446, %swap3A_447] : memref<1024x512xbf16, #tpu.memory_space<vmem>>, vector<1024x128xbf16>
    tpu.vector_store %arg12[%swap3A_446, %swap3A_447], %get3A_440 {strides = array<i32>} : memref<1024x512xbf16, #tpu.memory_space<vmem>>, vector<1024x128xbf16>,
    %get3A_449 = arith.constant 0 : index
    %get3A_450 = arith.constant 0 : index
    %get3A_451 = vector.load %arg12[%get3A_449, %get3A_450] : memref<1024x512xbf16, #tpu.memory_space<vmem>>, vector<1024x512xbf16>
    %get3A_452 = arith.constant 0 : index
    %get3A_453 = arith.constant 0 : index
    %get3A_454 = vector.load %arg5[%get3A_452, %get3A_453] : memref<512x1024xbf16, #tpu.memory_space<vmem>>, vector<512x1024xbf16>
    %dot_general3A_455 = arith.constant dense<0.000000e+00> : vector<1024x1024xf32>
    %dot_general3A_456 = tpu.matmul %get3A_451, %get3A_454, %dot_general3A_455 {dimension_numbers = #tpu.dot_dimension_numbers<[1], [0], [0], [1], [0, 0, 1, 1], [], []>, transpose_lhs_hint = false} : vector<1024x512xbf16>, vector<512x1024xbf16>, vector<1024x1024xf32> -> vector<1024x1024xf32>
    %get3A_457 = arith.constant 0 : index
    %get3A_458 = arith.constant 0 : index
    %get3A_459 = vector.load %arg13[%get3A_457, %get3A_458] : memref<1024x256xf32, #tpu.memory_space<vmem>>, vector<1024x256xf32>
    %slice3A_460 = vector.extract_strided_slice %dot_general3A_456 {offsets = [0, 0], sizes = [1024, 256], strides = [1, 1]} : vector<1024x1024xf32> to vector<1024x256xf32>
    %tanh3A_461 = math.tanh %slice3A_460 : vector<1024x256xf32>
    %mul3A_462 = arith.constant 5.000000e-01 : f32
    %mul3A_463 = vector.broadcast %mul3A_462 : f32 to vector<1024x256xf32>
    %mul3A_464 = arith.mulf %tanh3A_461, %mul3A_463 : vector<1024x256xf32>
    %add3A_465 = arith.constant 5.000000e-01 : f32
    %add3A_466 = vector.broadcast %add3A_465 : f32 to vector<1024x256xf32>
    %add3A_467 = arith.addf %mul3A_464, %add3A_466 : vector<1024x256xf32>
    %slice3A_468 = vector.extract_strided_slice %dot_general3A_456 {offsets = [0, 256], sizes = [1024, 256], strides = [1, 1]} : vector<1024x1024xf32> to vector<1024x256xf32>
    %tanh3A_469 = math.tanh %slice3A_468 : vector<1024x256xf32>
    %mul3A_470 = arith.constant 5.000000e-01 : f32
    %mul3A_471 = vector.broadcast %mul3A_470 : f32 to vector<1024x256xf32>
    %mul3A_472 = arith.mulf %tanh3A_469, %mul3A_471 : vector<1024x256xf32>
    %add3A_473 = arith.constant 5.000000e-01 : f32
    %add3A_474 = vector.broadcast %add3A_473 : f32 to vector<1024x256xf32>
    %add3A_475 = arith.addf %mul3A_472, %add3A_474 : vector<1024x256xf32>
    %slice3A_476 = vector.extract_strided_slice %dot_general3A_456 {offsets = [0, 512], sizes = [1024, 256], strides = [1, 1]} : vector<1024x1024xf32> to vector<1024x256xf32>
    %tanh3A_477 = math.tanh %slice3A_476 : vector<1024x256xf32>
    %slice3A_478 = vector.extract_strided_slice %dot_general3A_456 {offsets = [0, 768], sizes = [1024, 256], strides = [1, 1]} : vector<1024x1024xf32> to vector<1024x256xf32>
    %tanh3A_479 = math.tanh %slice3A_478 : vector<1024x256xf32>
    %mul3A_480 = arith.constant 5.000000e-01 : f32
    %mul3A_481 = vector.broadcast %mul3A_480 : f32 to vector<1024x256xf32>
    %mul3A_482 = arith.mulf %tanh3A_479, %mul3A_481 : vector<1024x256xf32>
    %add3A_483 = arith.constant 5.000000e-01 : f32
    %add3A_484 = vector.broadcast %add3A_483 : f32 to vector<1024x256xf32>
    %add3A_485 = arith.addf %mul3A_482, %add3A_484 : vector<1024x256xf32>
    %mul3A_486 = arith.mulf %add3A_475, %get3A_459 : vector<1024x256xf32>
    %mul3A_487 = arith.mulf %add3A_467, %tanh3A_477 : vector<1024x256xf32>
    %add3A_488 = arith.addf %mul3A_486, %mul3A_487 : vector<1024x256xf32>
    %tanh3A_489 = math.tanh %add3A_488 : vector<1024x256xf32>
    %mul3A_490 = arith.mulf %add3A_485, %tanh3A_489 : vector<1024x256xf32>
    %ne3A_491 = arith.constant 0.000000e+00 : f32
    %ne3A_492 = vector.broadcast %ne3A_491 : f32 to vector<1024x1xf32>
    %ne3A_493 = arith.cmpf one, %get3A_445, %ne3A_492 : vector<1024x1xf32>
    %convert_element_type3A_494 = arith.truncf %mul3A_490 : vector<1024x256xf32> to vector<1024x256xbf16>
    %get3A_495 = arith.constant 0 : index
    %get3A_496 = arith.constant 128 : index
    %get3A_497 = vector.load %arg12[%get3A_495, %get3A_496] : memref<1024x512xbf16, #tpu.memory_space<vmem>>, vector<1024x256xbf16>
    %broadcast_in_dim3A_498 = vector.shape_cast %ne3A_493 : vector<1024x1xi1> to vector<1024x1xi1>
    %broadcast_in_dim3A_499 = vector.broadcast %broadcast_in_dim3A_498 : vector<1024x1xi1> to vector<1024x256xi1>
    %select_n3A_500 = arith.select %broadcast_in_dim3A_499, %convert_element_type3A_494, %get3A_497 : vector<1024x256xi1>, vector<1024x256xbf16>
    %swap3A_501 = arith.constant 0 : index
    %swap3A_502 = arith.constant 128 : index
    %swap3A_503 = vector.load %arg12[%swap3A_501, %swap3A_502] : memref<1024x512xbf16, #tpu.memory_space<vmem>>, vector<1024x256xbf16>
    tpu.vector_store %arg12[%swap3A_501, %swap3A_502], %select_n3A_500 {strides = array<i32>} : memref<1024x512xbf16, #tpu.memory_space<vmem>>, vector<1024x256xbf16>,
    %broadcast_in_dim3A_504 = vector.shape_cast %ne3A_493 : vector<1024x1xi1> to vector<1024x1xi1>
    %broadcast_in_dim3A_505 = vector.broadcast %broadcast_in_dim3A_504 : vector<1024x1xi1> to vector<1024x256xi1>
    %select_n3A_506 = arith.select %broadcast_in_dim3A_505, %add3A_488, %get3A_459 : vector<1024x256xi1>, vector<1024x256xf32>
    %swap3A_507 = arith.constant 0 : index
    %swap3A_508 = arith.constant 0 : index
    %swap3A_509 = vector.load %arg13[%swap3A_507, %swap3A_508] : memref<1024x256xf32, #tpu.memory_space<vmem>>, vector<1024x256xf32>
    tpu.vector_store %arg13[%swap3A_507, %swap3A_508], %select_n3A_506 {strides = array<i32>} : memref<1024x256xf32, #tpu.memory_space<vmem>>, vector<1024x256xf32>,
    %get3A_510 = arith.constant 0 : index
    %get3A_511 = arith.constant 0 : index
    %get3A_512 = arith.constant 0 : index
    %get3A_513 = vector.load %arg2[%get3A_510, %get3A_511, %get3A_512] : memref<4x1024x128xbf16, #tpu.memory_space<vmem>>, vector<1x1024x128xbf16>
    %get3A_514 = vector.shape_cast %get3A_513 : vector<1x1024x128xbf16> to vector<1024x128xbf16>
    %get3A_515 = arith.constant 0 : index
    %get3A_516 = arith.constant 0 : index
    %get3A_517 = arith.constant 0 : index
    %get3A_518 = vector.load %arg4[%get3A_515, %get3A_516, %get3A_517] : memref<4x1024x1xf32, #tpu.memory_space<vmem>>, vector<1x1024x1xf32>
    %get3A_519 = vector.shape_cast %get3A_518 : vector<1x1024x1xf32> to vector<1024x1xf32>
    %swap3A_520 = arith.constant 0 : index
    %swap3A_521 = arith.constant 0 : index
    %swap3A_522 = vector.load %arg14[%swap3A_520, %swap3A_521] : memref<1024x512xbf16, #tpu.memory_space<vmem>>, vector<1024x128xbf16>
    tpu.vector_store %arg14[%swap3A_520, %swap3A_521], %get3A_514 {strides = array<i32>} : memref<1024x512xbf16, #tpu.memory_space<vmem>>, vector<1024x128xbf16>,
    %get3A_523 = arith.constant 0 : index
    %get3A_524 = arith.constant 0 : index
    %get3A_525 = vector.load %arg14[%get3A_523, %get3A_524] : memref<1024x512xbf16, #tpu.memory_space<vmem>>, vector<1024x512xbf16>
    %get3A_526 = arith.constant 0 : index
    %get3A_527 = arith.constant 0 : index
    %get3A_528 = vector.load %arg6[%get3A_526, %get3A_527] : memref<512x1024xbf16, #tpu.memory_space<vmem>>, vector<512x1024xbf16>
    %dot_general3A_529 = arith.constant dense<0.000000e+00> : vector<1024x1024xf32>
    %dot_general3A_530 = tpu.matmul %get3A_525, %get3A_528, %dot_general3A_529 {dimension_numbers = #tpu.dot_dimension_numbers<[1], [0], [0], [1], [0, 0, 1, 1], [], []>, transpose_lhs_hint = false} : vector<1024x512xbf16>, vector<512x1024xbf16>, vector<1024x1024xf32> -> vector<1024x1024xf32>
    %get3A_531 = arith.constant 0 : index
    %get3A_532 = arith.constant 0 : index
    %get3A_533 = vector.load %arg15[%get3A_531, %get3A_532] : memref<1024x256xf32, #tpu.memory_space<vmem>>, vector<1024x256xf32>
    %slice3A_534 = vector.extract_strided_slice %dot_general3A_530 {offsets = [0, 0], sizes = [1024, 256], strides = [1, 1]} : vector<1024x1024xf32> to vector<1024x256xf32>
    %tanh3A_535 = math.tanh %slice3A_534 : vector<1024x256xf32>
    %mul3A_536 = arith.constant 5.000000e-01 : f32
    %mul3A_537 = vector.broadcast %mul3A_536 : f32 to vector<1024x256xf32>
    %mul3A_538 = arith.mulf %tanh3A_535, %mul3A_537 : vector<1024x256xf32>
    %add3A_539 = arith.constant 5.000000e-01 : f32
    %add3A_540 = vector.broadcast %add3A_539 : f32 to vector<1024x256xf32>
    %add3A_541 = arith.addf %mul3A_538, %add3A_540 : vector<1024x256xf32>
    %slice3A_542 = vector.extract_strided_slice %dot_general3A_530 {offsets = [0, 256], sizes = [1024, 256], strides = [1, 1]} : vector<1024x1024xf32> to vector<1024x256xf32>
    %tanh3A_543 = math.tanh %slice3A_542 : vector<1024x256xf32>
    %mul3A_544 = arith.constant 5.000000e-01 : f32
    %mul3A_545 = vector.broadcast %mul3A_544 : f32 to vector<1024x256xf32>
    %mul3A_546 = arith.mulf %tanh3A_543, %mul3A_545 : vector<1024x256xf32>
    %add3A_547 = arith.constant 5.000000e-01 : f32
    %add3A_548 = vector.broadcast %add3A_547 : f32 to vector<1024x256xf32>
    %add3A_549 = arith.addf %mul3A_546, %add3A_548 : vector<1024x256xf32>
    %slice3A_550 = vector.extract_strided_slice %dot_general3A_530 {offsets = [0, 512], sizes = [1024, 256], strides = [1, 1]} : vector<1024x1024xf32> to vector<1024x256xf32>
    %tanh3A_551 = math.tanh %slice3A_550 : vector<1024x256xf32>
    %slice3A_552 = vector.extract_strided_slice %dot_general3A_530 {offsets = [0, 768], sizes = [1024, 256], strides = [1, 1]} : vector<1024x1024xf32> to vector<1024x256xf32>
    %tanh3A_553 = math.tanh %slice3A_552 : vector<1024x256xf32>
    %mul3A_554 = arith.constant 5.000000e-01 : f32
    %mul3A_555 = vector.broadcast %mul3A_554 : f32 to vector<1024x256xf32>
    %mul3A_556 = arith.mulf %tanh3A_553, %mul3A_555 : vector<1024x256xf32>
    %add3A_557 = arith.constant 5.000000e-01 : f32
    %add3A_558 = vector.broadcast %add3A_557 : f32 to vector<1024x256xf32>
    %add3A_559 = arith.addf %mul3A_556, %add3A_558 : vector<1024x256xf32>
    %mul3A_560 = arith.mulf %add3A_549, %get3A_533 : vector<1024x256xf32>
    %mul3A_561 = arith.mulf %add3A_541, %tanh3A_551 : vector<1024x256xf32>
    %add3A_562 = arith.addf %mul3A_560, %mul3A_561 : vector<1024x256xf32>
    %tanh3A_563 = math.tanh %add3A_562 : vector<1024x256xf32>
    %mul3A_564 = arith.mulf %add3A_559, %tanh3A_563 : vector<1024x256xf32>
    %ne3A_565 = arith.constant 0.000000e+00 : f32
    %ne3A_566 = vector.broadcast %ne3A_565 : f32 to vector<1024x1xf32>
    %ne3A_567 = arith.cmpf one, %get3A_519, %ne3A_566 : vector<1024x1xf32>
    %convert_element_type3A_568 = arith.truncf %mul3A_564 : vector<1024x256xf32> to vector<1024x256xbf16>
    %get3A_569 = arith.constant 0 : index
    %get3A_570 = arith.constant 128 : index
    %get3A_571 = vector.load %arg14[%get3A_569, %get3A_570] : memref<1024x512xbf16, #tpu.memory_space<vmem>>, vector<1024x256xbf16>
    %broadcast_in_dim3A_572 = vector.shape_cast %ne3A_567 : vector<1024x1xi1> to vector<1024x1xi1>
    %broadcast_in_dim3A_573 = vector.broadcast %broadcast_in_dim3A_572 : vector<1024x1xi1> to vector<1024x256xi1>
    %select_n3A_574 = arith.select %broadcast_in_dim3A_573, %convert_element_type3A_568, %get3A_571 : vector<1024x256xi1>, vector<1024x256xbf16>
    %swap3A_575 = arith.constant 0 : index
    %swap3A_576 = arith.constant 128 : index
    %swap3A_577 = vector.load %arg14[%swap3A_575, %swap3A_576] : memref<1024x512xbf16, #tpu.memory_space<vmem>>, vector<1024x256xbf16>
    tpu.vector_store %arg14[%swap3A_575, %swap3A_576], %select_n3A_574 {strides = array<i32>} : memref<1024x512xbf16, #tpu.memory_space<vmem>>, vector<1024x256xbf16>,
    %broadcast_in_dim3A_578 = vector.shape_cast %ne3A_567 : vector<1024x1xi1> to vector<1024x1xi1>
    %broadcast_in_dim3A_579 = vector.broadcast %broadcast_in_dim3A_578 : vector<1024x1xi1> to vector<1024x256xi1>
    %select_n3A_580 = arith.select %broadcast_in_dim3A_579, %add3A_562, %get3A_533 : vector<1024x256xi1>, vector<1024x256xf32>
    %swap3A_581 = arith.constant 0 : index
    %swap3A_582 = arith.constant 0 : index
    %swap3A_583 = vector.load %arg15[%swap3A_581, %swap3A_582] : memref<1024x256xf32, #tpu.memory_space<vmem>>, vector<1024x256xf32>
    tpu.vector_store %arg15[%swap3A_581, %swap3A_582], %select_n3A_580 {strides = array<i32>} : memref<1024x256xf32, #tpu.memory_space<vmem>>, vector<1024x256xf32>,
    %eq3A_584 = arith.constant 49 : i32
    %eq3A_585 = arith.cmpi eq, %arg0, %eq3A_584 : i32
    %convert_element_type3A_586 = arith.extui %eq3A_585 : i1 to i32
    %cond3A_587 = arith.constant 0 : i32
    %cond3A_588 = arith.cmpi ne, %convert_element_type3A_586, %cond3A_587 : i32
    scf.if %cond3A_588 {
      %get3A_589 = arith.constant 0 : index
      %get3A_590 = arith.constant 128 : index
      %get3A_591 = vector.load %arg12[%get3A_589, %get3A_590] : memref<1024x512xbf16, #tpu.memory_space<vmem>>, vector<1024x256xbf16>
      %convert_element_type3A_592 = arith.extf %get3A_591 : vector<1024x256xbf16> to vector<1024x256xf32>
      %get3A_593 = arith.constant 0 : index
      %get3A_594 = arith.constant 128 : index
      %get3A_595 = vector.load %arg14[%get3A_593, %get3A_594] : memref<1024x512xbf16, #tpu.memory_space<vmem>>, vector<1024x256xbf16>
      %convert_element_type3A_596 = arith.extf %get3A_595 : vector<1024x256xbf16> to vector<1024x256xf32>
      %concatenate3A = tpu.concatenate %convert_element_type3A_592, %convert_element_type3A_596 in 1 : vector<1024x256xf32>, vector<1024x256xf32> -> vector<1024x512xf32>
      %reduce_sum3A = arith.constant dense<0.000000e+00> : vector<512xf32>
      %reduce_sum3A_597 = vector.multi_reduction <add>, %concatenate3A, %reduce_sum3A [0] : vector<1024x512xf32> to vector<512xf32>
      %broadcast_in_dim3A_598 = vector.shape_cast %reduce_sum3A_597 : vector<512xf32> to vector<1x512xf32>
      %div3A = arith.constant 1.024000e+03 : f32
      %div3A_599 = vector.broadcast %div3A : f32 to vector<1x512xf32>
      %div3A_600 = arith.divf %broadcast_in_dim3A_598, %div3A_599 : vector<1x512xf32>
      %mul3A_601 = arith.mulf %concatenate3A, %concatenate3A : vector<1024x512xf32>
      %reduce_sum3A_602 = arith.constant dense<0.000000e+00> : vector<512xf32>
      %reduce_sum3A_603 = vector.multi_reduction <add>, %mul3A_601, %reduce_sum3A_602 [0] : vector<1024x512xf32> to vector<512xf32>
      %broadcast_in_dim3A_604 = vector.shape_cast %reduce_sum3A_603 : vector<512xf32> to vector<1x512xf32>
      %div3A_605 = arith.constant 1.024000e+03 : f32
      %div3A_606 = vector.broadcast %div3A_605 : f32 to vector<1x512xf32>
      %div3A_607 = arith.divf %broadcast_in_dim3A_604, %div3A_606 : vector<1x512xf32>
      %mul3A_608 = arith.mulf %div3A_600, %div3A_600 : vector<1x512xf32>
      %sub3A = arith.subf %div3A_607, %mul3A_608 : vector<1x512xf32>
      %get3A_609 = arith.constant 0 : index
      %get3A_610 = arith.constant 0 : index
      %get3A_611 = vector.load %arg7[%get3A_609, %get3A_610] : memref<1x512xf32, #tpu.memory_space<vmem>>, vector<1x512xf32>
      %sub3A_612 = vector.broadcast %div3A_600 : vector<1x512xf32> to vector<1024x512xf32>
      %sub3A_613 = arith.subf %concatenate3A, %sub3A_612 : vector<1024x512xf32>
      %mul3A_614 = vector.broadcast %get3A_611 : vector<1x512xf32> to vector<1024x512xf32>
      %mul3A_615 = arith.mulf %mul3A_614, %sub3A_613 : vector<1024x512xf32>
      %add3A_616 = arith.constant 1.000000e-03 : f32
      %add3A_617 = vector.broadcast %add3A_616 : f32 to vector<1x512xf32>
      %add3A_618 = arith.addf %sub3A, %add3A_617 : vector<1x512xf32>
      %rsqrt3A = math.rsqrt %add3A_618 : vector<1x512xf32>
      %mul3A_619 = vector.broadcast %rsqrt3A : vector<1x512xf32> to vector<1024x512xf32>
      %mul3A_620 = arith.mulf %mul3A_615, %mul3A_619 : vector<1024x512xf32>
      %get3A_621 = arith.constant 0 : index
      %get3A_622 = arith.constant 0 : index
      %get3A_623 = vector.load %arg8[%get3A_621, %get3A_622] : memref<1x512xf32, #tpu.memory_space<vmem>>, vector<1x512xf32>
      %add3A_624 = vector.broadcast %get3A_623 : vector<1x512xf32> to vector<1024x512xf32>
      %add3A_625 = arith.addf %mul3A_620, %add3A_624 : vector<1024x512xf32>
      %get3A_626 = arith.constant 0 : index
      %get3A_627 = arith.constant 0 : index
      %get3A_628 = vector.load %arg9[%get3A_626, %get3A_627] : memref<512x64xf32, #tpu.memory_space<vmem>>, vector<512x64xf32>
      %dot_general3A_629 = arith.constant dense<0.000000e+00> : vector<1024x64xf32>
      %dot_general3A_630 = tpu.matmul %add3A_625, %get3A_628, %dot_general3A_629 {dimension_numbers = #tpu.dot_dimension_numbers<[1], [0], [0], [1], [0, 0, 1, 1], [], []>, transpose_lhs_hint = false} : vector<1024x512xf32>, vector<512x64xf32>, vector<1024x64xf32> -> vector<1024x64xf32>
      %get3A_631 = arith.constant 0 : index
      %get3A_632 = arith.constant 0 : index
      %get3A_633 = vector.load %arg10[%get3A_631, %get3A_632] : memref<1x64xf32, #tpu.memory_space<vmem>>, vector<1x64xf32>
      %add3A_634 = vector.broadcast %get3A_633 : vector<1x64xf32> to vector<1024x64xf32>
      %add3A_635 = arith.addf %dot_general3A_630, %add3A_634 : vector<1024x64xf32>
      %reduce_max3A = arith.constant dense<0xFF800000> : vector<1024xf32>
      %reduce_max3A_636 = vector.multi_reduction <maximumf>, %add3A_635, %reduce_max3A [1] : vector<1024x64xf32> to vector<1024xf32>
      %broadcast_in_dim3A_637 = vector.shape_cast %reduce_max3A_636 : vector<1024xf32> to vector<1024x1xf32>
      %sub3A_638 = vector.broadcast %broadcast_in_dim3A_637 : vector<1024x1xf32> to vector<1024x64xf32>
      %sub3A_639 = arith.subf %add3A_635, %sub3A_638 : vector<1024x64xf32>
      %exp3A = math.exp %sub3A_639 : vector<1024x64xf32>
      %reduce_sum3A_640 = arith.constant dense<0.000000e+00> : vector<1024xf32>
      %reduce_sum3A_641 = vector.multi_reduction <add>, %exp3A, %reduce_sum3A_640 [1] : vector<1024x64xf32> to vector<1024xf32>
      %broadcast_in_dim3A_642 = vector.shape_cast %reduce_sum3A_641 : vector<1024xf32> to vector<1024x1xf32>
      %div3A_643 = vector.broadcast %broadcast_in_dim3A_642 : vector<1024x1xf32> to vector<1024x64xf32>
      %div3A_644 = arith.divf %exp3A, %div3A_643 : vector<1024x64xf32>
      %swap3A_645 = arith.constant 0 : index
      %swap3A_646 = arith.constant 0 : index
      %swap3A_647 = vector.load %arg11[%swap3A_645, %swap3A_646] : memref<1024x64xf32, #tpu.memory_space<vmem>>, vector<1024x64xf32>
      tpu.vector_store %arg11[%swap3A_645, %swap3A_646], %div3A_644 {strides = array<i32>} : memref<1024x64xf32, #tpu.memory_space<vmem>>, vector<1024x64xf32>,
    } else {
    }
    return
  }
  func.func @transform_0(%arg0: i32) -> (i32, i32, i32) {
    %c0_i32 = arith.constant 0 : i32
    %c0_i32_0 = arith.constant 0 : i32
    %c0_i32_1 = arith.constant 0 : i32
    return %arg0, %c0_i32, %c0_i32_0 : i32, i32, i32
  }
  func.func @transform_1(%arg0: i32) -> (i32, i32, i32) {
    %sub3A = arith.constant 49 : i32
    %sub3A_0 = arith.subi %sub3A, %arg0 : i32
    %c0_i32 = arith.constant 0 : i32
    %c0_i32_1 = arith.constant 0 : i32
    %c0_i32_2 = arith.constant 0 : i32
    return %sub3A_0, %c0_i32, %c0_i32_1 : i32, i32, i32
  }
  func.func @transform_2(%arg0: i32) -> (i32, i32, i32) {
    %c0_i32 = arith.constant 0 : i32
    %c0_i32_0 = arith.constant 0 : i32
    %c0_i32_1 = arith.constant 0 : i32
    return %arg0, %c0_i32, %c0_i32_0 : i32, i32, i32
  }
  func.func @transform_3(%arg0: i32) -> (i32, i32, i32) {
    %sub3A = arith.constant 49 : i32
    %sub3A_0 = arith.subi %sub3A, %arg0 : i32
    %c0_i32 = arith.constant 0 : i32
    %c0_i32_1 = arith.constant 0 : i32
    %c0_i32_2 = arith.constant 0 : i32
    return %sub3A_0, %c0_i32, %c0_i32_1 : i32, i32, i32
  }
  func.func @transform_4(%arg0: i32) -> (i32, i32) {
    %c0_i32 = arith.constant 0 : i32
    %c0_i32_0 = arith.constant 0 : i32
    %c0_i32_1 = arith.constant 0 : i32
    return %c0_i32, %c0_i32_0 : i32, i32
  }
  func.func @transform_5(%arg0: i32) -> (i32, i32) {
    %c0_i32 = arith.constant 0 : i32
    %c0_i32_0 = arith.constant 0 : i32
    %c0_i32_1 = arith.constant 0 : i32
    return %c0_i32, %c0_i32_0 : i32, i32
  }
  func.func @transform_6(%arg0: i32) -> (i32, i32) {
    %c0_i32 = arith.constant 0 : i32
    %c0_i32_0 = arith.constant 0 : i32
    %c0_i32_1 = arith.constant 0 : i32
    return %c0_i32, %c0_i32_0 : i32, i32
  }
  func.func @transform_7(%arg0: i32) -> (i32, i32) {
    %c0_i32 = arith.constant 0 : i32
    %c0_i32_0 = arith.constant 0 : i32
    %c0_i32_1 = arith.constant 0 : i32
    return %c0_i32, %c0_i32_0 : i32, i32
  }
  func.func @transform_8(%arg0: i32) -> (i32, i32) {
    %c0_i32 = arith.constant 0 : i32
    %c0_i32_0 = arith.constant 0 : i32
    %c0_i32_1 = arith.constant 0 : i32
    return %c0_i32, %c0_i32_0 : i32, i32
  }
  func.func @transform_9(%arg0: i32) -> (i32, i32) {
    %c0_i32 = arith.constant 0 : i32
    %c0_i32_0 = arith.constant 0 : i32
    %c0_i32_1 = arith.constant 0 : i32
    return %c0_i32, %c0_i32_0 : i32, i32
  }
  func.func @transform_10(%arg0: i32) -> (i32, i32) {
    %c0_i32 = arith.constant 0 : i32
    %c0_i32_0 = arith.constant 0 : i32
    %c0_i32_1 = arith.constant 0 : i32
    return %c0_i32, %c0_i32_0 : i32, i32
  }
}

</mosaic_0001>

<sc_bundles>
// kernel: kernel.5.cloned.1.call-start
scs
__scs_entry_jumppad:
0x0: {  	(pc) =	sbr.rel $0x88, $3  }
0x1: {  	(tag) =	ssettag $0x0;
	lr =	simm.s32 $0x1  }
0x2: {  	[smem:$0x3F93] =	sst lr;
	_ =	strace $0xD0000000  }
0x3: {  	_ = 	snop  }
0x4: {  	_ = 	snop  }
0x5: {  	_ = 	snop  }
0x6: {  	_ = 	snop  }
0x7: {  	_ = 	snop  }
__scs_overlays_trampoline_lowered:
0x8: {  	[smem:$0x3FA2] =	sst s0  }
0x9: {  	[smem:$0x3FA3] =	sst s1  }
0xa: {  	[smem:$0x3FA4] =	sst s2  }
0xb: {  	[smem:$0x3FA5] =	sst s3  }
0xc: {  	[smem:$0x3FA6] =	sst s4  }
0xd: {  	[smem:$0x3FA7] =	sst s5  }
0xe: {  	[smem:$0x3FA8] =	sst s6  }
0xf: {  	[smem:$0x3FA9] =	sst s7  }
0x10: {  	[smem:$0x3FAA] =	sst s8  }
0x11: {  	[smem:$0x3FAB] =	sst s9;
	s0 =	simm.s32 @!p0 $0x0  }
0x12: {  	s1 =	sld [smem:$0x3F91];
	s0 =	simm.s32 @p0 $0x1  }
0x13: {  	[smem:$0x3FAC] =	sst s0;
	s0 =	simm.s32 @!p1 $0x0  }
0x14: {  	s2 =	sld [smem:$0x3F90];
	s0 =	simm.s32 @p1 $0x1  }
0x15: {  	[smem:$0x3FAD] =	sst s0;
	s0 =	simm.s32 @!p2 $0x0  }
0x16: {  	s3 =	sld [smem:$0x3FDB];
	s0 =	simm.s32 @p2 $0x1  }
0x17: {  	s4 =	simm.s32 $0x1BF5;
	[smem:$0x3FAF] =	sst s0  }
0x18: {  	s0 =	sld [smem:$0x3F92];
	_ =	swait.ge [sflag:s4], $0x0  }
0x19: {  	s7 =	sld [smem:$0x3F93]  }
0x1a: {  	s8 =	sadd.s32 $0xFFFFE003, lr  }
0x1b: {  	s9 =	sadd.s32 $0xFFFFFEF7, lr;
	s5 =	simm.s32 $0xFFFFFFFF;
	p2 =	slt.u32 s8, $0xFFFFF086  }
0x1c: {  	p1 =	slt.u32 s9, $0xF7A;
	s5 =	simm.s32 @!p2 $0x0  }
0x1d: {  	s5 =	simm.s32 @p1 $0x1;
	p0 =	seq.s32 s7, s2  }
0x1e: {  	s7 =	smul.u32 @!p0 $0xF7A, s2;
	p2 =	seq.s32 @!p0 s5, $0x0  }
0x1f: {  	s9 =	smul.u32 $0xF7A, s1;
	s8 =	simm.s32 @!p0 $0x1BF5;
	p2 =	por !p2, p0  }
0x20: {  	[sflag:s8] =	ssyncset.s32 @!p0 $0xFFFFF086;
	s6 =	sadd.s32 @!p0 s3, s7;
	s7 =	simm.s32 @!p0 $0x108  }
0x21: {  	s3 =	sadd.s32 s3, s9;
	s6 =	sadd.s32 @!p0 $0x88, s6;
	s7 =	simm.s32 @p2 $0x1082  }
0x22: {  	[simem:s7], [sflag:s8] =	dma.local @!p0 [hbm:s6], $0xF7A  }
0x23: {  	s9 =	sor.u32 $0xD0000000, s2;
	s6 =	simm.s32 $0x108;
	_ =	swait.ge @!p0 [sflag:s8], $0x0  }
0x24: {  	s3 =	sadd.s32 $0x88, s3;
	s6 =	simm.s32 @!p1 $0x1082;
	[sflag:s4] =	ssyncset.s32 $0xFFFFF086  }
0x25: {  	[simem:s6], [sflag:s4] =	dma.local [hbm:s3], $0xF7A  }
0x26: {  	[smem:$0x3F93] =	sst s1;
	(tag) =	ssettag s2;
	_ =	strace s9  }
0x27: {  	s1 =	sld [smem:$0x3FA3]  }
0x28: {  	s2 =	sld [smem:$0x3FA4]  }
0x29: {  	s4 =	sld [smem:$0x3FA6]  }
0x2a: {  	p0 =	seq.s32 s5, $0x0;
	s5 =	sld [smem:$0x3FA7]  }
0x2b: {  	s6 =	sld [smem:$0x3FA8]  }
0x2c: {  	s7 =	sld [smem:$0x3FA9]  }
0x2d: {  	s3 =	simm.s32 $0x108;
	s8 =	sld [smem:$0x3FAA]  }
0x2e: {  	s3 =	simm.s32 @!p0 $0x1082;
	s9 =	sld [smem:$0x3FAB]  }
0x2f: {  	lr =	sadd.s32 s0, s3;
	s0 =	sld [smem:$0x3FA2]  }
0x30: {  	s3 =	sld [smem:$0x3FA5]  }
0x31: {  	[smem:$0x3FAE] =	sst s10  }
0x32: {  	s10 =	sld [smem:$0x3FAC];
	_ =	sdelay $0x3  }
0x33: {  	p0 =	seq.s32 s10, $0x1;
	s10 =	sld [smem:$0x3FAE];
	_ =	sdelay $0x3  }
0x34: {  	[smem:$0x3FAE] =	sst s10  }
0x35: {  	s10 =	sld [smem:$0x3FAD];
	_ =	sdelay $0x3  }
0x36: {  	p1 =	seq.s32 s10, $0x1;
	s10 =	sld [smem:$0x3FAE];
	_ =	sdelay $0x3  }
0x37: {  	[smem:$0x3FAE] =	sst s10  }
0x38: {  	s10 =	sld [smem:$0x3FAF]  }
0x39: {  	_ = 	snop;
	(pc) =	sbr.ind lr, $3  }
0x3a: {  	_ = 	snop  }
0x3b: {  	_ = 	snop  }
0x3c: {  	p2 =	seq.s32 s10, $0x1;
	s10 =	sld [smem:$0x3FAE]  }
0x3d: {  	_ =	shalt  }
0x3e: {  	_ =	shalt  }
0x3f: {  	_ =	shalt  }
0x40: {  	_ =	shalt  }
0x41: {  	_ =	shalt  }
0x42: {  	_ =	shalt  }
0x43: {  	_ =	shalt  }
0x44: {  	_ =	shalt  }
0x45: {  	_ =	shalt  }
0x46: {  	_ =	shalt  }
0x47: {  	_ =	shalt  }
0x48: {  	_ =	shalt  }
0x49: {  	_ =	shalt  }
0x4a: {  	_ =	shalt  }
0x4b: {  	_ =	shalt  }
0x4c: {  	_ =	shalt  }
0x4d: {  	_ =	shalt  }
0x4e: {  	_ =	shalt  }
0x4f: {  	_ =	shalt  }
0x50: {  	_ =	shalt  }
0x51: {  	_ =	shalt  }
0x52: {  	_ =	shalt  }
0x53: {  	_ =	shalt  }
0x54: {  	_ =	shalt  }
0x55: {  	_ =	shalt  }
0x56: {  	_ =	shalt  }
0x57: {  	_ =	shalt  }
0x58: {  	_ =	shalt  }
0x59: {  	_ =	shalt  }
0x5a: {  	_ =	shalt  }
0x5b: {  	_ =	shalt  }
0x5c: {  	_ =	shalt  }
0x5d: {  	_ =	shalt  }
0x5e: {  	_ =	shalt  }
0x5f: {  	_ =	shalt  }
0x60: {  	_ =	shalt  }
0x61: {  	_ =	shalt  }
0x62: {  	_ =	shalt  }
0x63: {  	_ =	shalt  }
0x64: {  	_ =	shalt  }
0x65: {  	_ =	shalt  }
0x66: {  	_ =	shalt  }
0x67: {  	_ =	shalt  }
0x68: {  	_ =	shalt  }
0x69: {  	_ =	shalt  }
0x6a: {  	_ =	shalt  }
0x6b: {  	_ =	shalt  }
0x6c: {  	_ =	shalt  }
0x6d: {  	_ =	shalt  }
0x6e: {  	_ =	shalt  }
0x6f: {  	_ =	shalt  }
0x70: {  	_ =	shalt  }
0x71: {  	_ =	shalt  }
0x72: {  	_ =	shalt  }
0x73: {  	_ =	shalt  }
0x74: {  	_ =	shalt  }
0x75: {  	_ =	shalt  }
0x76: {  	_ =	shalt  }
0x77: {  	_ =	shalt  }
0x78: {  	_ =	shalt  }
0x79: {  	_ =	shalt  }
0x7a: {  	_ =	shalt  }
0x7b: {  	_ =	shalt  }
0x7c: {  	_ =	shalt  }
0x7d: {  	_ =	shalt  }
0x7e: {  	_ =	shalt  }
0x7f: {  	_ =	shalt  }
0x80: {  	_ =	shalt  }
0x81: {  	_ =	shalt  }
0x82: {  	_ =	shalt  }
0x83: {  	_ =	shalt  }
0x84: {  	_ =	shalt  }
0x85: {  	_ =	shalt  }
0x86: {  	_ =	shalt  }
0x87: {  	_ =	shalt  }
.Lfunc_end0:
.L_simem_size_0:
called_computation_lowered:
.L_overlay_start_0:
0x88: {  	s2 =	sld [smem:$0x3FD9]  }
0x89: {  	s3 =	sld [smem:$0x3FFE];
	_ =	sdelay $0x1  }
0x8a: {  	s1 =	srdreg.scid  }
0x8b: {  	s0 =	sand.u32 $0x1, s1  }
0x8c: {  	s17 =	sshll.u32 s0, $0xA;
	s2 =	sadd.s32 s3, s2  }
0x8d: {  	s2 =	sadd.s32 s2, s17  }
0x8e: {  	[smem:$0x3FBA] =	sst s2  }
0x8f: {  	_ = 	snop  }
0x90: {  	s2 =	sld [smem:$0x3FC8];
	(tm) =	ssettm $0x1  }
0x91: {  	s18 =	sld [smem:$0x3FFB];
	_ =	sdelay $0x3  }
0x92: {  	_ =	strace s18  }
0x93: {  	s3 =	sld [smem:$0x3FFC];
	_ =	sdelay $0x3  }
0x94: {  	_ =	strace s3  }
0x95: {  	s3 =	sld [smem:$0x3FFD];
	_ =	sdelay $0x3  }
0x96: {  	_ =	strace s3  }
0x97: {  	_ =	strace $0x8FFFFFFF  }
0x98: {  	s19 =	sld [smem:$0x3FDB];
	_ =	sdelay $0x1  }
0x99: {  	s4 =	simm.s32 $_scs_section_size  }
0x9a: {  	s5 =	simm.s32 $_size__tile_overlayer_lowered;
	s6 =	simm.s32 $_tile_overlayer_lowered  }
0x9b: {  	s22 =	simm.s32 $0x1BFF;
	s21 =	sshll.u32 s6, $0x1;
	s3 =	sadd.s32 s4, s19  }
0x9c: {  	s7 =	simm.s32 $0x0;
	s20 =	sshll.u32 s5, $0x1;
	s5 =	sadd.s32 s21, s3  }
0x9d: {  	[timem:s7], [sflag:s22] =	dma.local [hbm:s5], s20  }
0x9e: {  	_ =	swait.ge [sflag:s22], s20  }
0x9f: {  	s4 =	ssub.s32 $0x0, s20;
	[sflag:s22] =	ssyncset.done $0x0  }
0xa0: {  	[sflag:s22] =	ssyncadd.s32 s4;
	_ =	sdelay $0x1  }
0xa1: {  	s23 =	simm.s32 $0x1B8B  }
0xa2: {  	_ =	swait.ge [sflag:s23], $0x1  }
0xa3: {  	[sflag:s23] =	ssyncset.done $0x0  }
0xa4: {  	s25 =	simm.s32 $0x1B8E;
	s24 =	sld [smem:$0x3FFE];
	[sflag:s23] =	ssyncadd.s32 $0xFFFFFFFF  }
0xa5: {  	s26 =	simm.s32 $execute0_lowered;
	[smem:$0x3FD2] =	sst s25  }
0xa6: {  	s5 =	sshll.u32 s26, $0x1;
	_ =	strace $0x80000046;
	[dreg:$0x1] =	wrdreg $0xFFFFFFFF  }
0xa7: {  	s28 =	simm.s32 $_size_execute0_lowered;
	s3 =	sadd.s32 s3, s5;
	[dreg:$0x0] =	wrdreg $0x0  }
0xa8: {  	s5 =	sshll.u32 s28, $0x1;
	[dreg:$0x2] =	wrdreg s3  }
0xa9: {  	[dreg:$0x3] =	wrdreg s5  }
0xaa: {  	[dreg:$0x4] =	wrdreg $0xC0  }
0xab: {  	_ =	task [dreg:s7], $0x5FFFF  }
0xac: {  	[dreg:$0x1] =	wrdreg $0xFFFFFFFF  }
0xad: {  	[dreg:$0x0] =	wrdreg $0x60  }
0xae: {  	[dreg:$0x2] =	wrdreg s2  }
0xaf: {  	[dreg:$0x3] =	wrdreg s24  }
0xb0: {  	[dreg:$0x4] =	wrdreg $0x9  }
0xb1: {  	_ =	task.clear_ibuf [dreg:s7], $0x5FFFF;
	_ =	strace $0x90000046  }
0xb2: {  	s29 =	simm.s32 $0x9;
	_ =	strace $0x80000048  }
0xb3: {  	_ =	swait.ge [sflag:s29], $0x1  }
0xb4: {  	[sflag:s29] =	ssyncadd.s32 $0xFFFFFFFF  }
0xb5: {  	_ =	strace $0x90000048  }
0xb6: {  	_ =	sfence  }
0xb7: {  	s30 =	sld [smem:$0x0];
	_ =	sdelay $0x2  }
0xb8: {  	s31 =	sshll.u32 s1, $0xD;
	s1 =	sshrl.u32 s1, $0x2  }
0xb9: {  	s3 =	sand.u32 $0x4000, s31;
	s1 =	sadd.s32 s1, s30  }
0xba: {  	s0 =	sor.u32 s3, s0;
	s1 =	sshll.u32 s1, $0x11  }
0xbb: {  	s0 =	sor.u32 s1, s0  }
0xbc: {  	s0 =	sadd.s32 $0x8F2B, s0  }
0xbd: {  	[sflag:s0] =	ssyncadd.remote.s32 $0x1  }
0xbe: {  	_ =	sfence.sel $0xFFFF  }
0xbf: {  	[dreg:$0x0] =	wrdreg $0xFFFFFFFF;
	(pc) =	sbr.abs _section_cstart, $3  }
0xc0: {  	[dreg:$0x1] =	wrdreg $0xFFFFFFFF  }
0xc1: {  	_ =	task.clear_ibuf [dreg:s7], $0x2FFFF;
	_ =	strace $0x9FFFFFFF  }
0xc2: {  	(tm) =	ssettm $0x7FFFFFFF  }
0xc3: {  	_ =	shalt  }
tec
execute0_lowered:
.L_overlay_start_1:
0x0: {  	(tag) =	ssettag $0x1  }
0x1: {  	s2 =	rddreg [dreg:$0x0]  }
0x2: {  	s0 =	rddreg [dreg:$0x1];
	s5 =	stileid.u32;
	s3 =	simm.s32 $0x0  }
0x3: {  	s4 =	srdreg.scid;
	s10 =	simm.s32 $0xB;
	s11 =	simm.s32 $0x80  }
0x4: {  	s12 =	simm.s32 $0x280;
	s13 =	simm.s32 $0x4280;
	s14 =	simm.s32 $0x100  }
0x5: {  	s15 =	simm.s32 $0x8280;
	s16 =	simm.s32 $0x180;
	s17 =	simm.s32 $0xC280  }
0x6: {  	s18 =	simm.s32 $0x200;
	s19 =	simm.s32 $0x10280;
	s20 =	simm.s32 $0x1  }
0x7: {  	s21 =	simm.s32 $0x2;
	s31 =	simm.s32 $0x0;
	s1 =	smul.u32 $0x32000, s5  }
0x8: {  	[smem:$0x7FF] =	sst s3;
	s4 =	sand.u32 $0x1, s4;
	s5 =	smul.u32 $0x3200, s5  }
0x9: {  	s9 =	sadd.s32 $0x2600, s0;
	s6 =	ssub.s32 $0x2, s4;
	s7 =	smul.u32 $0x1900, s4  }
0xa: {  	_ =	strace $0x80000047;
	s4 =	smul.u32 $0x19000, s4;
	s8 =	sshrl.u32 s6, $0x1  }
0xb: {  	s0 =	sadd.s32 s1, s0;
	s22 =	ssub.s32 s6, s8;
	s5 =	sadd.s32 s7, s5  }
0xc: {  	s0 =	sadd.s32 s4, s0;
	s1 =	smax.u32 s22, $0x1;
	s23 =	sadd.s32 $0x200, s5  }
0xd: {  	s0 =	sadd.s32 $0x8A00, s0;
	s24 =	sadd.s32 $0x180, s5;
	s28 =	sadd.s32 $0x100, s5  }
0xe: {  	s29 =	sor.u32 $0x80, s5;
	s30 =	sshrl.u32 s5, $0x3;
	[dreg:$0x4] =	wrdreg s1  }
0xf: {  	s22 =	simm.s32 $0x3;
	s1 =	sshrl.u32 s23, $0x3;
	[dreg:$0x3] =	wrdreg s0  }
0x10: {  	s26 =	sshrl.u32 s24, $0x3;
	s23 =	simm.s32 $0x4;
	s25 =	sadd.s32 s1, s9  }
0x11: {  	s24 =	simm.s32 $0x5;
	s0 =	sadd.s32 s26, s9;
	[dreg:$0x5] =	wrdreg s25  }
0x12: {  	s1 =	sshrl.u32 s29, $0x3;
	[dreg:$0x6] =	wrdreg s0;
	s0 =	sshrl.u32 s28, $0x3  }
0x13: {  	s8 =	sadd.s32 s1, s9;
	s7 =	sadd.s32 s0, s9;
	s9 =	sadd.s32 s30, s9  }
.LBB2_1:
0x14: {  	p0 =	por $0x1, $0x1  }
0x15: {  	s0 =	simm.s32 @!p0 $0x6  }
0x16: {  	_ =	swait.ge @!p0 [sflag:s0], $0x4000  }
0x17: {  	[sflag:s0] =	ssyncset.done @!p0 $0x0  }
0x18: {  	[sflag:s0] =	ssyncadd.s32 @!p0 $0xFFFFC000  }
0x19: {  	[tilespmem:s3], [sflag:$0xB] =	stream.linear.gather [hbm4b:s9+s3], $0x80, $0x38;
	[tilespmem:$0x14280] =	vst v63  }
0x1a: {  	_ =	swait.ge [sflag:s10], $0x80  }
0x1b: {  	[sflag:s10] =	ssyncset.done $0x0  }
0x1c: {  	s0 =	simm.s32 @!p0 $0x7;
	[sflag:s10] =	ssyncadd.s32 $0xFFFFFF80  }
0x1d: {  	[tilespmem:s12], [sflag:$0x1] =	stream.indirect.gather [hbm4b:s2+s11], $0x80, s3, s11, $0xb8;
	[tilespmem:$0x14280] =	vst v63  }
0x1e: {  	_ =	swait.ge @!p0 [sflag:s0], $0x4000  }
0x1f: {  	[sflag:s0] =	ssyncset.done @!p0 $0x0  }
0x20: {  	[sflag:s0] =	ssyncadd.s32 @!p0 $0xFFFFC000  }
0x21: {  	[tilespmem:s11], [sflag:$0xB] =	stream.linear.gather [hbm4b:s8+s3], $0x80, $0x38;
	[tilespmem:$0x14280] =	vst v63  }
0x22: {  	_ =	swait.ge [sflag:s10], $0x80  }
0x23: {  	[sflag:s10] =	ssyncset.done $0x0  }
0x24: {  	s0 =	simm.s32 @!p0 $0x8;
	[sflag:s10] =	ssyncadd.s32 $0xFFFFFF80  }
0x25: {  	[tilespmem:s13], [sflag:$0x2] =	stream.indirect.gather [hbm4b:s2+s11], $0x80, s11, s11, $0xb8;
	[tilespmem:$0x14280] =	vst v63  }
0x26: {  	_ =	swait.ge @!p0 [sflag:s0], $0x4000  }
0x27: {  	[sflag:s0] =	ssyncset.done @!p0 $0x0  }
0x28: {  	[sflag:s0] =	ssyncadd.s32 @!p0 $0xFFFFC000  }
0x29: {  	[tilespmem:s14], [sflag:$0xB] =	stream.linear.gather [hbm4b:s7+s3], $0x80, $0x38;
	[tilespmem:$0x14280] =	vst v63  }
0x2a: {  	_ =	swait.ge [sflag:s10], $0x80  }
0x2b: {  	[sflag:s10] =	ssyncset.done $0x0  }
0x2c: {  	s0 =	simm.s32 @!p0 $0x9;
	[sflag:s10] =	ssyncadd.s32 $0xFFFFFF80  }
0x2d: {  	[tilespmem:s15], [sflag:$0x3] =	stream.indirect.gather [hbm4b:s2+s11], $0x80, s14, s11, $0xb8;
	[tilespmem:$0x14280] =	vst v63  }
0x2e: {  	_ =	swait.ge @!p0 [sflag:s0], $0x4000  }
0x2f: {  	[sflag:s0] =	ssyncset.done @!p0 $0x0  }
0x30: {  	s6 =	rddreg [dreg:$0x6];
	[sflag:s0] =	ssyncadd.s32 @!p0 $0xFFFFC000  }
0x31: {  	[tilespmem:s16], [sflag:$0xB] =	stream.linear.gather [hbm4b:s6+s3], $0x80, $0x38;
	[tilespmem:$0x14280] =	vst v63  }
0x32: {  	_ =	swait.ge [sflag:s10], $0x80  }
0x33: {  	[sflag:s10] =	ssyncset.done $0x0  }
0x34: {  	s0 =	simm.s32 @!p0 $0xA;
	[sflag:s10] =	ssyncadd.s32 $0xFFFFFF80  }
0x35: {  	[tilespmem:s17], [sflag:$0x4] =	stream.indirect.gather [hbm4b:s2+s11], $0x80, s16, s11, $0xb8;
	[tilespmem:$0x14280] =	vst v63  }
0x36: {  	_ =	swait.ge @!p0 [sflag:s0], $0x4000  }
0x37: {  	[sflag:s0] =	ssyncset.done @!p0 $0x0  }
0x38: {  	s4 =	rddreg [dreg:$0x5];
	[sflag:s0] =	ssyncadd.s32 @!p0 $0xFFFFC000  }
0x39: {  	[tilespmem:s18], [sflag:$0xB] =	stream.linear.gather [hbm4b:s4+s3], $0x80, $0x38;
	[tilespmem:$0x14280] =	vst v63  }
0x3a: {  	_ =	swait.ge [sflag:s10], $0x80  }
0x3b: {  	[sflag:s10] =	ssyncset.done $0x0  }
0x3c: {  	[sflag:s10] =	ssyncadd.s32 $0xFFFFFF80  }
0x3d: {  	[tilespmem:s19], [sflag:$0x5] =	stream.indirect.gather [hbm4b:s2+s11], $0x80, s18, s11, $0xb8;
	[tilespmem:$0x14280] =	vst v63  }
0x3e: {  	_ =	swait.ge [sflag:s20], $0x4000  }
0x3f: {  	s26 =	rddreg [dreg:$0x3];
	[sflag:s20] =	ssyncset.done $0x0  }
0x40: {  	[sflag:s20] =	ssyncadd.s32 $0xFFFFC000;
	s5 =	sadd.s32 $0x0, s26  }
0x41: {  	[hbm4b:s5+s3] =	stream.linear.scatter [tilespmem:s12], [sflag:$0x6], $0x4000, $0x38;
	[tilespmem:$0x14280] =	vst v63  }
0x42: {  	_ =	swait.ge [sflag:s21], $0x4000  }
0x43: {  	[sflag:s21] =	ssyncset.done $0x0  }
0x44: {  	s0 =	sadd.s32 $0x800, s5;
	[sflag:s21] =	ssyncadd.s32 $0xFFFFC000  }
0x45: {  	[hbm4b:s0+s3] =	stream.linear.scatter [tilespmem:s13], [sflag:$0x7], $0x4000, $0x38;
	[tilespmem:$0x14280] =	vst v63  }
0x46: {  	_ =	swait.ge [sflag:s22], $0x4000  }
0x47: {  	[sflag:s22] =	ssyncset.done $0x0  }
0x48: {  	s30 =	sadd.s32 $0x1000, s5;
	[sflag:s22] =	ssyncadd.s32 $0xFFFFC000  }
0x49: {  	[hbm4b:s30+s3] =	stream.linear.scatter [tilespmem:s15], [sflag:$0x8], $0x4000, $0x38;
	[tilespmem:$0x14280] =	vst v63  }
0x4a: {  	s29 =	simm.s32 $0x5000;
	s28 =	sadd.s32 $0x50, s9;
	_ =	swait.ge [sflag:s23], $0x4000  }
0x4b: {  	s25 =	sadd.s32 $0x50, s7;
	p1 =	por $0x0, $0x0;
	[sflag:s23] =	ssyncset.done $0x0  }
0x4c: {  	s26 =	sadd.s32 $0x50, s8;
	s1 =	sadd.s32 $0x1800, s5;
	[sflag:s23] =	ssyncadd.s32 $0xFFFFC000  }
0x4d: {  	[hbm4b:s1+s3] =	stream.linear.scatter [tilespmem:s17], [sflag:$0x9], $0x4000, $0x38;
	[tilespmem:$0x14280] =	vst v63  }
0x4e: {  	s5 =	sadd.s32 $0x2000, s5;
	s0 =	simm.s32 $0x2800;
	_ =	swait.ge [sflag:s24], $0x4000  }
0x4f: {  	s1 =	sadd.s32 $0x50, s4;
	s4 =	sadd.s32 $0x50, s6;
	[sflag:s24] =	ssyncset.done $0x0  }
.LBB2_2:
0x50: {  	s6 =	simm.s32 @!p1 $0x6;
	[sflag:s24] =	ssyncadd.s32 $0xFFFFC000  }
0x51: {  	[hbm4b:s5+s3] =	stream.linear.scatter [tilespmem:s19], [sflag:$0xA], $0x4000, $0x38;
	[tilespmem:$0x14280] =	vst v63  }
0x52: {  	_ =	swait.ge @!p1 [sflag:s6], $0x4000  }
0x53: {  	[sflag:s6] =	ssyncset.done @!p1 $0x0  }
0x54: {  	[sflag:s6] =	ssyncadd.s32 @!p1 $0xFFFFC000  }
0x55: {  	[tilespmem:s3], [sflag:$0xB] =	stream.linear.gather [hbm4b:s28+s3], $0x80, $0x38;
	[tilespmem:$0x14280] =	vst v63  }
0x56: {  	_ =	swait.ge [sflag:s10], $0x80  }
0x57: {  	[sflag:s10] =	ssyncset.done $0x0  }
0x58: {  	s5 =	simm.s32 @!p1 $0x7;
	[sflag:s10] =	ssyncadd.s32 $0xFFFFFF80  }
0x59: {  	[tilespmem:s12], [sflag:$0x1] =	stream.indirect.gather [hbm4b:s2+s11], $0x80, s3, s11, $0xb8;
	[tilespmem:$0x14280] =	vst v63  }
0x5a: {  	_ =	swait.ge @!p1 [sflag:s5], $0x4000  }
0x5b: {  	[sflag:s5] =	ssyncset.done @!p1 $0x0  }
0x5c: {  	[sflag:s5] =	ssyncadd.s32 @!p1 $0xFFFFC000  }
0x5d: {  	[tilespmem:s11], [sflag:$0xB] =	stream.linear.gather [hbm4b:s26+s3], $0x80, $0x38;
	[tilespmem:$0x14280] =	vst v63  }
0x5e: {  	_ =	swait.ge [sflag:s10], $0x80  }
0x5f: {  	[sflag:s10] =	ssyncset.done $0x0  }
0x60: {  	s5 =	simm.s32 @!p1 $0x8;
	[sflag:s10] =	ssyncadd.s32 $0xFFFFFF80  }
0x61: {  	[tilespmem:s13], [sflag:$0x2] =	stream.indirect.gather [hbm4b:s2+s11], $0x80, s11, s11, $0xb8;
	[tilespmem:$0x14280] =	vst v63  }
0x62: {  	_ =	swait.ge @!p1 [sflag:s5], $0x4000  }
0x63: {  	[sflag:s5] =	ssyncset.done @!p1 $0x0  }
0x64: {  	[sflag:s5] =	ssyncadd.s32 @!p1 $0xFFFFC000  }
0x65: {  	[tilespmem:s14], [sflag:$0xB] =	stream.linear.gather [hbm4b:s25+s3], $0x80, $0x38;
	[tilespmem:$0x14280] =	vst v63  }
0x66: {  	_ =	swait.ge [sflag:s10], $0x80  }
0x67: {  	[sflag:s10] =	ssyncset.done $0x0  }
0x68: {  	s5 =	simm.s32 @!p1 $0x9;
	[sflag:s10] =	ssyncadd.s32 $0xFFFFFF80  }
0x69: {  	[tilespmem:s15], [sflag:$0x3] =	stream.indirect.gather [hbm4b:s2+s11], $0x80, s14, s11, $0xb8;
	[tilespmem:$0x14280] =	vst v63  }
0x6a: {  	_ =	swait.ge @!p1 [sflag:s5], $0x4000  }
0x6b: {  	[sflag:s5] =	ssyncset.done @!p1 $0x0  }
0x6c: {  	[sflag:s5] =	ssyncadd.s32 @!p1 $0xFFFFC000  }
0x6d: {  	[tilespmem:s16], [sflag:$0xB] =	stream.linear.gather [hbm4b:s4+s3], $0x80, $0x38;
	[tilespmem:$0x14280] =	vst v63  }
0x6e: {  	_ =	swait.ge [sflag:s10], $0x80  }
0x6f: {  	[sflag:s10] =	ssyncset.done $0x0  }
0x70: {  	s5 =	simm.s32 @!p1 $0xA;
	[sflag:s10] =	ssyncadd.s32 $0xFFFFFF80  }
0x71: {  	[tilespmem:s17], [sflag:$0x4] =	stream.indirect.gather [hbm4b:s2+s11], $0x80, s16, s11, $0xb8;
	[tilespmem:$0x14280] =	vst v63  }
0x72: {  	_ =	swait.ge @!p1 [sflag:s5], $0x4000  }
0x73: {  	[sflag:s5] =	ssyncset.done @!p1 $0x0  }
0x74: {  	[sflag:s5] =	ssyncadd.s32 @!p1 $0xFFFFC000  }
0x75: {  	[tilespmem:s18], [sflag:$0xB] =	stream.linear.gather [hbm4b:s1+s3], $0x80, $0x38;
	[tilespmem:$0x14280] =	vst v63  }
0x76: {  	_ =	swait.ge [sflag:s10], $0x80  }
0x77: {  	[sflag:s10] =	ssyncset.done $0x0  }
0x78: {  	[sflag:s10] =	ssyncadd.s32 $0xFFFFFF80  }
0x79: {  	[tilespmem:s19], [sflag:$0x5] =	stream.indirect.gather [hbm4b:s2+s11], $0x80, s18, s11, $0xb8;
	[tilespmem:$0x14280] =	vst v63  }
0x7a: {  	_ =	swait.ge [sflag:s20], $0x4000  }
0x7b: {  	s6 =	rddreg [dreg:$0x3];
	[sflag:s20] =	ssyncset.done $0x0  }
0x7c: {  	[sflag:s20] =	ssyncadd.s32 $0xFFFFC000;
	s5 =	sadd.s32 s0, s6  }
0x7d: {  	[hbm4b:s5+s3] =	stream.linear.scatter [tilespmem:s12], [sflag:$0x6], $0x4000, $0x38;
	[tilespmem:$0x14280] =	vst v63  }
0x7e: {  	_ =	swait.ge [sflag:s21], $0x4000  }
0x7f: {  	s30 =	smov.u32 s29;
	[sflag:s21] =	ssyncset.done $0x0  }
0x80: {  	s0 =	smov.u32 s30;
	s30 =	sadd.s32 $0x800, s5;
	[sflag:s21] =	ssyncadd.s32 $0xFFFFC000  }
0x81: {  	[hbm4b:s30+s3] =	stream.linear.scatter [tilespmem:s13], [sflag:$0x7], $0x4000, $0x38;
	[tilespmem:$0x14280] =	vst v63  }
0x82: {  	_ =	swait.ge [sflag:s22], $0x4000  }
0x83: {  	[sflag:s22] =	ssyncset.done $0x0  }
0x84: {  	s29 =	sadd.s32 $0x2800, s29;
	s30 =	sadd.s32 $0x1000, s5;
	[sflag:s22] =	ssyncadd.s32 $0xFFFFC000  }
0x85: {  	[hbm4b:s30+s3] =	stream.linear.scatter [tilespmem:s15], [sflag:$0x8], $0x4000, $0x38;
	[tilespmem:$0x14280] =	vst v63  }
0x86: {  	p0 =	sne.s32 s29, $0x19000;
	s28 =	sadd.s32 $0x50, s28;
	_ =	swait.ge [sflag:s23], $0x4000  }
.Ltmp0:
0x87: {  	s26 =	sadd.s32 $0x50, s26;
	[sflag:s23] =	ssyncset.done $0x0;
	(pc) =	sbr.rel @p0 .LBB2_2-.Ltmp0, $4  }
0x88: {  	s25 =	sadd.s32 $0x50, s25;
	s30 =	sadd.s32 $0x1800, s5;
	[sflag:s23] =	ssyncadd.s32 $0xFFFFC000  }
0x89: {  	[hbm4b:s30+s3] =	stream.linear.scatter [tilespmem:s17], [sflag:$0x9], $0x4000, $0x38;
	[tilespmem:$0x14280] =	vst v63  }
0x8a: {  	s4 =	sadd.s32 $0x50, s4;
	s1 =	sadd.s32 $0x50, s1;
	_ =	swait.ge [sflag:s24], $0x4000  }
0x8b: {  	p1 =	seq.s32 s0, $0x0;
	s5 =	sadd.s32 $0x2000, s5;
	[sflag:s24] =	ssyncset.done $0x0  }
0x8c: {  	[sflag:s24] =	ssyncadd.s32 $0xFFFFC000  }
0x8d: {  	[hbm4b:s5+s3] =	stream.linear.scatter [tilespmem:s19], [sflag:$0xA], $0x4000, $0x38;
	[tilespmem:$0x14280] =	vst v63  }
0x8e: {  	s5 =	simm.s32 @!p1 $0x6  }
0x8f: {  	_ =	swait.ge @!p1 [sflag:s5], $0x4000  }
0x90: {  	[sflag:s5] =	ssyncset.done @!p1 $0x0  }
0x91: {  	[sflag:s5] =	ssyncadd.s32 @!p1 $0xFFFFC000  }
0x92: {  	[tilespmem:s3], [sflag:$0xB] =	stream.linear.gather [hbm4b:s28+s3], $0x80, $0x38;
	[tilespmem:$0x14280] =	vst v63  }
0x93: {  	_ =	swait.ge [sflag:s10], $0x80  }
0x94: {  	[sflag:s10] =	ssyncset.done $0x0  }
0x95: {  	s5 =	simm.s32 @!p1 $0x7;
	[sflag:s10] =	ssyncadd.s32 $0xFFFFFF80  }
0x96: {  	[tilespmem:s12], [sflag:$0x1] =	stream.indirect.gather [hbm4b:s2+s11], $0x80, s3, s11, $0xb8;
	[tilespmem:$0x14280] =	vst v63  }
0x97: {  	_ =	swait.ge @!p1 [sflag:s5], $0x4000  }
0x98: {  	[sflag:s5] =	ssyncset.done @!p1 $0x0  }
0x99: {  	[sflag:s5] =	ssyncadd.s32 @!p1 $0xFFFFC000  }
0x9a: {  	[tilespmem:s11], [sflag:$0xB] =	stream.linear.gather [hbm4b:s26+s3], $0x80, $0x38;
	[tilespmem:$0x14280] =	vst v63  }
0x9b: {  	_ =	swait.ge [sflag:s10], $0x80  }
0x9c: {  	[sflag:s10] =	ssyncset.done $0x0  }
0x9d: {  	s5 =	simm.s32 @!p1 $0x8;
	[sflag:s10] =	ssyncadd.s32 $0xFFFFFF80  }
0x9e: {  	[tilespmem:s13], [sflag:$0x2] =	stream.indirect.gather [hbm4b:s2+s11], $0x80, s11, s11, $0xb8;
	[tilespmem:$0x14280] =	vst v63  }
0x9f: {  	_ =	swait.ge @!p1 [sflag:s5], $0x4000  }
0xa0: {  	[sflag:s5] =	ssyncset.done @!p1 $0x0  }
0xa1: {  	[sflag:s5] =	ssyncadd.s32 @!p1 $0xFFFFC000  }
0xa2: {  	[tilespmem:s14], [sflag:$0xB] =	stream.linear.gather [hbm4b:s25+s3], $0x80, $0x38;
	[tilespmem:$0x14280] =	vst v63  }
0xa3: {  	_ =	swait.ge [sflag:s10], $0x80  }
0xa4: {  	[sflag:s10] =	ssyncset.done $0x0  }
0xa5: {  	s5 =	simm.s32 @!p1 $0x9;
	[sflag:s10] =	ssyncadd.s32 $0xFFFFFF80  }
0xa6: {  	[tilespmem:s15], [sflag:$0x3] =	stream.indirect.gather [hbm4b:s2+s11], $0x80, s14, s11, $0xb8;
	[tilespmem:$0x14280] =	vst v63  }
0xa7: {  	_ =	swait.ge @!p1 [sflag:s5], $0x4000  }
0xa8: {  	[sflag:s5] =	ssyncset.done @!p1 $0x0  }
0xa9: {  	[sflag:s5] =	ssyncadd.s32 @!p1 $0xFFFFC000  }
0xaa: {  	[tilespmem:s16], [sflag:$0xB] =	stream.linear.gather [hbm4b:s4+s3], $0x80, $0x38;
	[tilespmem:$0x14280] =	vst v63  }
0xab: {  	_ =	swait.ge [sflag:s10], $0x80  }
0xac: {  	[sflag:s10] =	ssyncset.done $0x0  }
0xad: {  	s4 =	simm.s32 @!p1 $0xA;
	[sflag:s10] =	ssyncadd.s32 $0xFFFFFF80  }
0xae: {  	[tilespmem:s17], [sflag:$0x4] =	stream.indirect.gather [hbm4b:s2+s11], $0x80, s16, s11, $0xb8;
	[tilespmem:$0x14280] =	vst v63  }
0xaf: {  	_ =	swait.ge @!p1 [sflag:s4], $0x4000  }
0xb0: {  	[sflag:s4] =	ssyncset.done @!p1 $0x0  }
0xb1: {  	[sflag:s4] =	ssyncadd.s32 @!p1 $0xFFFFC000  }
0xb2: {  	[tilespmem:s18], [sflag:$0xB] =	stream.linear.gather [hbm4b:s1+s3], $0x80, $0x38;
	[tilespmem:$0x14280] =	vst v63  }
0xb3: {  	_ =	swait.ge [sflag:s10], $0x80  }
0xb4: {  	[sflag:s10] =	ssyncset.done $0x0  }
0xb5: {  	[sflag:s10] =	ssyncadd.s32 $0xFFFFFF80  }
0xb6: {  	[tilespmem:s19], [sflag:$0x5] =	stream.indirect.gather [hbm4b:s2+s11], $0x80, s18, s11, $0xb8;
	[tilespmem:$0x14280] =	vst v63  }
0xb7: {  	_ =	swait.ge [sflag:s20], $0x4000  }
0xb8: {  	s30 =	rddreg [dreg:$0x3];
	[sflag:s20] =	ssyncset.done $0x0  }
0xb9: {  	[sflag:s20] =	ssyncadd.s32 $0xFFFFC000;
	s0 =	sadd.s32 s0, s30  }
0xba: {  	[hbm4b:s0+s3] =	stream.linear.scatter [tilespmem:s12], [sflag:$0x6], $0x4000, $0x38;
	[tilespmem:$0x14280] =	vst v63  }
0xbb: {  	_ =	swait.ge [sflag:s21], $0x4000  }
0xbc: {  	[sflag:s21] =	ssyncset.done $0x0  }
0xbd: {  	s1 =	sadd.s32 $0x800, s0;
	[sflag:s21] =	ssyncadd.s32 $0xFFFFC000  }
0xbe: {  	[hbm4b:s1+s3] =	stream.linear.scatter [tilespmem:s13], [sflag:$0x7], $0x4000, $0x38;
	[tilespmem:$0x14280] =	vst v63  }
0xbf: {  	_ =	swait.ge [sflag:s22], $0x4000  }
0xc0: {  	[sflag:s22] =	ssyncset.done $0x0  }
0xc1: {  	s4 =	sadd.s32 $0x1000, s0;
	[sflag:s22] =	ssyncadd.s32 $0xFFFFC000  }
0xc2: {  	[hbm4b:s4+s3] =	stream.linear.scatter [tilespmem:s15], [sflag:$0x8], $0x4000, $0x38;
	[tilespmem:$0x14280] =	vst v63  }
0xc3: {  	_ =	swait.ge [sflag:s23], $0x4000  }
0xc4: {  	[sflag:s23] =	ssyncset.done $0x0  }
0xc5: {  	s5 =	sadd.s32 $0x1800, s0;
	[sflag:s23] =	ssyncadd.s32 $0xFFFFC000  }
0xc6: {  	[hbm4b:s5+s3] =	stream.linear.scatter [tilespmem:s17], [sflag:$0x9], $0x4000, $0x38;
	[tilespmem:$0x14280] =	vst v63  }
0xc7: {  	_ =	swait.ge [sflag:s24], $0x4000  }
0xc8: {  	[sflag:s24] =	ssyncset.done $0x0  }
0xc9: {  	s6 =	simm.s32 $0x6;
	s0 =	sadd.s32 $0x2000, s0;
	[sflag:s24] =	ssyncadd.s32 $0xFFFFC000  }
0xca: {  	[hbm4b:s0+s3] =	stream.linear.scatter [tilespmem:s19], [sflag:$0xA], $0x4000, $0x38;
	[tilespmem:$0x14280] =	vst v63  }
0xcb: {  	_ =	swait.ge [sflag:s6], $0x4000  }
0xcc: {  	[sflag:s6] =	ssyncset.done $0x0  }
0xcd: {  	s25 =	simm.s32 $0x7;
	[sflag:s6] =	ssyncadd.s32 $0xFFFFC000  }
0xce: {  	_ =	swait.ge [sflag:s25], $0x4000  }
0xcf: {  	[sflag:s25] =	ssyncset.done $0x0  }
0xd0: {  	s26 =	simm.s32 $0x8;
	[sflag:s25] =	ssyncadd.s32 $0xFFFFC000  }
0xd1: {  	_ =	swait.ge [sflag:s26], $0x4000  }
0xd2: {  	[sflag:s26] =	ssyncset.done $0x0  }
0xd3: {  	s28 =	simm.s32 $0x9;
	[sflag:s26] =	ssyncadd.s32 $0xFFFFC000  }
0xd4: {  	_ =	swait.ge [sflag:s28], $0x4000  }
0xd5: {  	[sflag:s28] =	ssyncset.done $0x0  }
0xd6: {  	s29 =	simm.s32 $0xA;
	[sflag:s28] =	ssyncadd.s32 $0xFFFFC000  }
0xd7: {  	_ =	swait.ge [sflag:s29], $0x4000  }
0xd8: {  	s31 =	sadd.s32 $0x1, s31;
	s30 =	rddreg [dreg:$0x4]  }
0xd9: {  	p0 =	sne.s32 s31, s30  }
.Ltmp1:
0xda: {  	_ = 	snop;
	(pc) =	sbr.rel @p0 .LBB2_1-.Ltmp1, $3  }
0xdb: {  	_ =	sdelay $0x1  }
0xdc: {  	[sflag:s29] =	ssyncset.done $0x0  }
0xdd: {  	[sflag:s29] =	ssyncadd.s32 $0xFFFFC000  }
0xde: {  	_ =	sfence.sel $0x180000  }
0xdf: {  	[bflag:$0x0] =	sbarrier.arrive $0xFFFF  }
0xe0: {  	_ =	strace $0x90000047  }
0xe1: {  	s0 =	stileid.u32;
	[bflag:$0x2] =	sbarrier.arrive $0xFFFF  }
0xe2: {  	p0 =	sne.s32 s0, $0x0;
	s0 =	rddreg [dreg:$0x2]  }
0xe3: {  	s0 =	sadd.s32 @!p0 $0x100000, s0  }
0xe4: {  	[sflag:s0] =	ssyncadd.tile.s32 @!p0 $0x1;
	_ =	shalt  }
.Lfunc_end2:
_tile_overlayer_lowered:
.L_overlay_start_2:
0xe5: {  	(tag) =	ssettag $0x2  }
0xe6: {  	s0 =	rddreg [dreg:$0x0];
	s2 =	stileid.u32  }
0xe7: {  	s1 =	rddreg [dreg:$0x1];
	p0 =	sne.s32 s2, $0x0  }
0xe8: {  	s3 =	rddreg [dreg:$0x2];
	[bflag:$0x3] =	sbarrier.arrive $0xFFFF;
	s2 =	simm.s32 @!p0 $0x1C0B  }
0xe9: {  	[timem:s3], [sflag:s2] =	dma.local @!p0 [hbm:s0], s1  }
0xea: {  	s0 =	simm.s32 @!p0 $0xB  }
0xeb: {  	_ =	swait.ge @!p0 [sflag:s0], s1  }
0xec: {  	s1 =	ssub.s32 @!p0 $0x0, s1;
	[sflag:s0] =	ssyncset.done @!p0 $0x0  }
0xed: {  	[sflag:s0] =	ssyncadd.s32 @!p0 s1  }
0xee: {  	[bflag:$0x3] =	sbarrier.arrive $0xFFFF  }
0xef: {  	_ =	shalt  }

</sc_bundles>
